<compile_context>
chip_gen: v7x
topology: tpu7x:2x2x1
jax: 0.10.2.dev20260603
libtpu: 0.0.44.dev20260713+nightly
codegen_flags: <defaults>
</compile_context>

<pallas_src>
import functools

import jax
import jax.numpy as jnp
from jax import lax
from jax.experimental import pallas as pl
from jax.experimental.pallas import tpu as pltpu
from jax.experimental.pallas import tpu_sc as plsc

D = 128

NPAD = 10240
NACC = NPAD
ACC_PER_SUB = NACC // 16

C = 128
R = 2
L = 1
IBUF = 8
PFD = 4

BLK = 256


def _pad_sizes(n_edges):
    quant = 32 * C * IBUF
    epad = ((n_edges + quant - 1) // quant) * quant
    cpt = epad // (32 * C)
    return epad, cpt




def _scat_call(y, idx2, zeros_blk, cpt):
    mesh = plsc.VectorSubcoreMesh(core_axis_name="c", subcore_axis_name="s")

    @functools.partial(
        pl.kernel,
        out_type=jax.ShapeDtypeStruct((2, NPAD, D), jnp.float32),
        mesh=mesh,
        scratch_types=[
            pltpu.VMEM((IBUF, 2, C), jnp.int32),
            pltpu.VMEM((R, C, D), jnp.float32),
            pltpu.VMEM_SHARED((NACC, D), jnp.float32),
        ]
        + [pltpu.SemaphoreType.DMA] * (IBUF + 2 * R),
    )
    def body(y_hbm, idx_hbm, zeros_hbm, out_hbm, ibuf, rows, acc_sh, *sems):
        isem = sems[:IBUF]
        gsem = sems[IBUF:IBUF + R]
        ssem = sems[IBUF + R:]
        c = lax.axis_index("c")
        s = lax.axis_index("s")
        off = (c * 16 + s) * cpt
        pltpu.sync_copy(zeros_hbm, acc_sh.at[pl.ds(s * ACC_PER_SUB, ACC_PER_SUB)])
        for k in range(PFD):
            pltpu.async_copy(idx_hbm.at[off + k], ibuf.at[k], isem[k])
        for k in range(L):
            pltpu.make_async_copy(idx_hbm.at[off + k], ibuf.at[k], isem[k]).wait()
            pltpu.async_copy(y_hbm.at[ibuf.at[k, 0]], rows.at[k], gsem[k])
        plsc.subcore_barrier()

        def outer(o, carry):
            for k in range(IBUF):
                g = o * IBUF + k
                b = k % R
                kL = (k + L) % IBUF
                bL = (k + L) % R
                pltpu.make_async_copy(
                    y_hbm.at[ibuf.at[k, 0]], rows.at[b], gsem[b]).wait()
                pltpu.async_copy(
                    rows.at[b], acc_sh.at[ibuf.at[k, 1]], ssem[b], add=True)

                @pl.when(g + PFD < cpt)
                def _():
                    pltpu.async_copy(idx_hbm.at[off + g + PFD],
                                     ibuf.at[(k + PFD) % IBUF],
                                     isem[(k + PFD) % IBUF])

                @pl.when(g + L < cpt)
                def _():
                    pltpu.make_async_copy(
                        idx_hbm.at[off + g + L], ibuf.at[kL], isem[kL]).wait()

                    @pl.when(g >= R - L)
                    def _():
                        pltpu.make_async_copy(
                            rows.at[bL], acc_sh.at[ibuf.at[(k + L - R) % IBUF, 1]],
                            ssem[bL]).wait()

                    pltpu.async_copy(
                        y_hbm.at[ibuf.at[kL, 0]], rows.at[bL], gsem[bL])
            return carry

        lax.fori_loop(0, cpt // IBUF, outer, 0)
        for j in range(R, 0, -1):
            pltpu.make_async_copy(
                rows.at[(cpt - j) % R], acc_sh.at[ibuf.at[(cpt - j) % IBUF, 1]],
                ssem[(cpt - j) % R]).wait()
        plsc.subcore_barrier()
        sl = pl.ds(s * ACC_PER_SUB, ACC_PER_SUB)
        pltpu.sync_copy(acc_sh.at[sl], out_hbm.at[c, sl])

    return body(y, idx2, zeros_blk)




def _prep_call(degp, x_pad):

    def body(degp_ref, x_ref, y1_ref, disb_ref):
        deg = degp_ref[0, :, 0:1] + degp_ref[1, :, 0:1]
        dis = jnp.where(deg > 0, lax.rsqrt(jnp.maximum(deg, 1e-12)), 0.0)
        disb = jnp.broadcast_to(dis, (BLK, D))
        disb_ref[...] = disb
        y1_ref[...] = x_ref[...] * disb

    return pl.pallas_call(
        body,
        grid=(NPAD // BLK,),
        in_specs=[
            pl.BlockSpec((2, BLK, D), lambda i: (0, i, 0)),
            pl.BlockSpec((BLK, D), lambda i: (i, 0)),
        ],
        out_specs=[
            pl.BlockSpec((BLK, D), lambda i: (i, 0)),
            pl.BlockSpec((BLK, D), lambda i: (i, 0)),
        ],
        out_shape=[
            jax.ShapeDtypeStruct((NPAD, D), jnp.float32),
            jax.ShapeDtypeStruct((NPAD, D), jnp.float32),
        ],
    )(degp, x_pad)


def _scale2_call(g1, disb):

    def body(g_ref, disb_ref, y2_ref):
        dis = disb_ref[...]
        y2_ref[...] = (g_ref[0] + g_ref[1]) * dis * dis

    return pl.pallas_call(
        body,
        grid=(NPAD // BLK,),
        in_specs=[
            pl.BlockSpec((2, BLK, D), lambda i: (0, i, 0)),
            pl.BlockSpec((BLK, D), lambda i: (i, 0)),
        ],
        out_specs=pl.BlockSpec((BLK, D), lambda i: (i, 0)),
        out_shape=jax.ShapeDtypeStruct((NPAD, D), jnp.float32),
    )(g1, disb)


def _layer_call(x, g, q, disb, W, b, relu):
    dout = W.shape[2]
    b2d = b.reshape(1, dout)

    def body(x_ref, g_ref, q_ref, disb_ref, w_ref, b_ref, *outs):
        dis = disb_ref[...]
        x_blk = x_ref[...]
        t1 = -(dis * (g_ref[0] + g_ref[1]))
        t2 = 2.0 * (dis * (q_ref[0] + q_ref[1])) - x_blk
        acc = jnp.dot(x_blk, w_ref[0], preferred_element_type=jnp.float32,
                      precision=lax.Precision.HIGHEST)
        acc = acc + jnp.dot(t1, w_ref[1], preferred_element_type=jnp.float32,
                            precision=lax.Precision.HIGHEST)
        acc = acc + jnp.dot(t2, w_ref[2], preferred_element_type=jnp.float32,
                            precision=lax.Precision.HIGHEST)
        acc = acc + b_ref[...]
        if relu:
            acc = jnp.maximum(acc, 0.0)
            outs[0][...] = acc
            outs[1][...] = acc * dis
        else:
            outs[0][...] = acc

    out_shape = [jax.ShapeDtypeStruct((NPAD, dout), jnp.float32)]
    out_specs = [pl.BlockSpec((BLK, dout), lambda i: (i, 0))]
    if relu:
        out_shape.append(jax.ShapeDtypeStruct((NPAD, D), jnp.float32))
        out_specs.append(pl.BlockSpec((BLK, D), lambda i: (i, 0)))

    return pl.pallas_call(
        body,
        grid=(NPAD // BLK,),
        in_specs=[
            pl.BlockSpec((BLK, D), lambda i: (i, 0)),
            pl.BlockSpec((2, BLK, D), lambda i: (0, i, 0)),
            pl.BlockSpec((2, BLK, D), lambda i: (0, i, 0)),
            pl.BlockSpec((BLK, D), lambda i: (i, 0)),
            pl.BlockSpec((3, D, dout), lambda i: (0, 0, 0)),
            pl.BlockSpec((1, dout), lambda i: (0, 0)),
        ],
        out_specs=out_specs,
        out_shape=out_shape,
    )(x, g, q, disb, W, b2d)




def kernel(x, edge_index, W0, b0, W1, b1, W2, b2):
    n = x.shape[0]
    e = edge_index.shape[1]
    epad, cpt = _pad_sizes(e)
    npadding = epad - e

    src = edge_index[0].astype(jnp.int32)
    dst = edge_index[1].astype(jnp.int32)
    gfill = jnp.full((npadding,), n, jnp.int32)
    sfill = n + (jnp.arange(npadding, dtype=jnp.int32) % (NACC - n))
    src_g = jnp.concatenate([src, gfill]).reshape(epad // C, C)
    dst_g = jnp.concatenate([dst, gfill]).reshape(epad // C, C)
    src_s = jnp.concatenate([src, sfill]).reshape(epad // C, C)
    dst_s = jnp.concatenate([dst, sfill]).reshape(epad // C, C)
    idx_cheb = jnp.stack([src_g, dst_s], axis=1)
    idx_deg = jnp.stack([dst_g, src_s], axis=1)

    x_pad = jnp.zeros((NPAD, D), jnp.float32).at[:n].set(x)
    ones_pad = jnp.zeros((NPAD, D), jnp.float32).at[:n].set(1.0)
    zeros_blk = jnp.zeros((ACC_PER_SUB, D), jnp.float32)
    zero_p = jnp.zeros((2, NPAD, D), jnp.float32)

    def tc_prep(y, disb, g_pend, q_pend, h, s_out):
        y1, disb_new = _prep_call(s_out, x_pad)
        return y1, disb_new, g_pend, q_pend, h

    def tc_even(y, disb, g_pend, q_pend, h, s_out):
        return _scale2_call(s_out, disb), disb, s_out, q_pend, h

    def tc_layer(Wl, bl):
        def f(y, disb, g_pend, q_pend, h, s_out):
            h_next, y_next = _layer_call(h, g_pend, s_out, disb, Wl, bl, True)
            return y_next, disb, g_pend, q_pend, h_next
        return f

    def tc_last(y, disb, g_pend, q_pend, h, s_out):
        return y, disb, g_pend, s_out, h

    branches = [
        tc_prep,
        tc_even,
        tc_layer(W0, b0),
        tc_even,
        tc_layer(W1, b1),
        tc_even,
        tc_last,
    ]

    def step(i, carry):
        y, disb, g_pend, q_pend, h = carry
        idx2 = jnp.where(i == 0, idx_deg, idx_cheb)
        s_out = _scat_call(y, idx2, zeros_blk, cpt)
        return lax.switch(i, branches, y, disb, g_pend, q_pend, h, s_out)

    limit = 7 - jnp.minimum(src[0], 0)
    zero_d = jnp.zeros((NPAD, D), jnp.float32)
    y, disb, g_pend, q_pend, h = lax.fori_loop(
        0, limit, step, (ones_pad, zero_d, zero_p, zero_p, x_pad))

    out = _layer_call(h, g_pend, q_pend, disb, W2, b2, False)[0]
    return out[:n]

# --- scband reference (transcript-rebuilt; emitter-appended) ---
"""Pipeline reference for scband-cheb-net-40063454937588 (READ-ONLY COPY).

The authoritative reference and input builder live on the scoring server;
editing this copy changes nothing except your own understanding.
"""

import jax, jax.numpy as jnp
import numpy as np

N_NODES = 10000
N_EDGES = 320000
D_IN = 128
H0 = 128
H1 = 128
D_OUT = 64
K = 3


def setup_inputs(seed: int = 0) -> dict:
    key = jax.random.key(seed)
    ks = jax.random.split(key, 10)
    x = jax.random.normal(ks[0], (N_NODES, D_IN), dtype=jnp.float32)
    edge_index = jax.random.randint(ks[1], (2, N_EDGES), 0, N_NODES, dtype=jnp.int64)
    s0 = 1.0 / np.sqrt(D_IN)
    s1 = 1.0 / np.sqrt(H0)
    s2 = 1.0 / np.sqrt(H1)
    W0 = jax.random.normal(ks[2], (K, D_IN, H0), dtype=jnp.float32) * s0
    b0 = jnp.zeros((H0,), dtype=jnp.float32)
    W1 = jax.random.normal(ks[3], (K, H0, H1), dtype=jnp.float32) * s1
    b1 = jnp.zeros((H1,), dtype=jnp.float32)
    W2 = jax.random.normal(ks[4], (K, H1, D_OUT), dtype=jnp.float32) * s2
    b2 = jnp.zeros((D_OUT,), dtype=jnp.float32)
    return {"x": x, "edge_index": edge_index, "W0": W0, "b0": b0, "W1": W1, "b1": b1, "W2": W2, "b2": b2}


def _cheb_conv(x, src, dst, norm, W, b):
    # PyG ChebConv with normalization='sym', lambda_max=2.0:
    # L_hat = -D^{-1/2} A D^{-1/2}  (diagonal cancels to 0)
    def Lhat(v):
        return jnp.zeros_like(v).at[dst].add(norm[:, None] * v[src])

    Tx0 = x
    out = Tx0 @ W[0]
    Tx1 = Lhat(Tx0)
    if W.shape[0] > 1:
        out = out + Tx1 @ W[1]
    Txpp, Txp = Tx0, Tx1
    for k in range(2, W.shape[0]):
        Txk = 2.0 * Lhat(Txp) - Txpp
        out = out + Txk @ W[k]
        Txpp, Txp = Txp, Txk
    return out + b


def reference(x, edge_index, W0, b0, W1, b1, W2, b2):
    src = edge_index[0]
    dst = edge_index[1]
    n = x.shape[0]
    deg = jnp.zeros((n,), dtype=x.dtype).at[src].add(1.0)
    deg_inv_sqrt = jnp.where(deg > 0, jax.lax.rsqrt(jnp.maximum(deg, 1e-12)), 0.0)
    norm = -deg_inv_sqrt[src] * deg_inv_sqrt[dst]
    h = jax.nn.relu(_cheb_conv(x, src, dst, norm, W0, b0))
    # dropout p=0.0 -> identity
    h = jax.nn.relu(_cheb_conv(h, src, dst, norm, W1, b1))
    return _cheb_conv(h, src, dst, norm, W2, b2)

if __name__ == "__main__":
    import jax
    _d = setup_inputs()
    print(jax.jit(kernel)(*tuple(_d.values())))

</pallas_src>

<mosaic_0001>
#map = affine_map<(d0, d1) -> (0, 0)>
#map1 = affine_map<(d0, d1) -> (0, 0, 0)>
module attributes {stable_mosaic.version = 14 : i64} {
  func.func @body(%arg0: i32, %arg1: i32, %arg2: memref<10240x128xf32, #tpu.memory_space<hbm>>, %arg3: memref<2560x2x128xi32, #tpu.memory_space<hbm>>, %arg4: memref<640x128xf32, #tpu.memory_space<hbm>>, %arg5: memref<2x10240x128xf32, #tpu.memory_space<hbm>>, %arg6: memref<8x2x128xi32, #tpu.memory_space<vmem>>, %arg7: memref<2x128x128xf32, #tpu.memory_space<vmem>>, %arg8: memref<10240x128xf32, #tpu.memory_space<vmem_shared>>, %arg9: memref<!tpu.dma_semaphore, #tpu.memory_space<semaphore_mem>>, %arg10: memref<!tpu.dma_semaphore, #tpu.memory_space<semaphore_mem>>, %arg11: memref<!tpu.dma_semaphore, #tpu.memory_space<semaphore_mem>>, %arg12: memref<!tpu.dma_semaphore, #tpu.memory_space<semaphore_mem>>, %arg13: memref<!tpu.dma_semaphore, #tpu.memory_space<semaphore_mem>>, %arg14: memref<!tpu.dma_semaphore, #tpu.memory_space<semaphore_mem>>, %arg15: memref<!tpu.dma_semaphore, #tpu.memory_space<semaphore_mem>>, %arg16: memref<!tpu.dma_semaphore, #tpu.memory_space<semaphore_mem>>, %arg17: memref<!tpu.dma_semaphore, #tpu.memory_space<semaphore_mem>>, %arg18: memref<!tpu.dma_semaphore, #tpu.memory_space<semaphore_mem>>, %arg19: memref<!tpu.dma_semaphore, #tpu.memory_space<semaphore_mem>>, %arg20: memref<!tpu.dma_semaphore, #tpu.memory_space<semaphore_mem>>) attributes {dimension_semantics = [#tpu.dimension_semantics<core_parallel>, #tpu.dimension_semantics<subcore_parallel>], iteration_bounds = array<i64: 2, 16>, scalar_prefetch = 0 : i64, scratch_operands = 15 : i64, tpu.core_type = #tpu.core_type<sc_vector_subcore>, window_params = [{transform_indices = #map}, {transform_indices = #map1}, {transform_indices = #map}, {transform_indices = #map1}]} {
    %mul3A = arith.constant 16 : i32
    %mul3A_0 = arith.muli %arg0, %mul3A : i32
    %add3A = arith.addi %mul3A_0, %arg1 : i32
    %mul3A_1 = arith.constant 80 : i32
    %mul3A_2 = arith.muli %add3A, %mul3A_1 : i32
    %mul3A_3 = arith.constant 640 : i32
    %mul3A_4 = arith.muli %arg1, %mul3A_3 : i32
    "tpu.region"() ({
      %run_scoped3A = tpu.sem_alloc : memref<!tpu.dma_semaphore, #tpu.memory_space<semaphore_mem>>
      %dma_start3A_145 = arith.constant 0 : i32
      %dma_start3A_146 = tpu.memref_slice %arg8[%mul3A_4, %dma_start3A_145] : memref<10240x128xf32, #tpu.memory_space<vmem_shared>> -> memref<640x128xf32, #tpu.memory_space<vmem_shared>>
      tpu.enqueue_dma source(%arg4 : memref<640x128xf32, #tpu.memory_space<hbm>>) target(%dma_start3A_146 : memref<640x128xf32, #tpu.memory_space<vmem_shared>>) target_semaphore(%run_scoped3A : memref<!tpu.dma_semaphore, #tpu.memory_space<semaphore_mem>>)
      %dma_wait3A_147 = arith.constant 0 : i32
      %dma_wait3A_148 = tpu.memref_slice %arg8[%mul3A_4, %dma_wait3A_147] : memref<10240x128xf32, #tpu.memory_space<vmem_shared>> -> memref<640x128xf32, #tpu.memory_space<vmem_shared>>
      tpu.wait_dma2 semaphore(%run_scoped3A : memref<!tpu.dma_semaphore, #tpu.memory_space<semaphore_mem>>) src(%arg4 : memref<640x128xf32, #tpu.memory_space<hbm>>) dst(%dma_wait3A_148 : memref<640x128xf32, #tpu.memory_space<vmem_shared>>)
      tpu.yield
    }) : () -> ()
    %add3A_5 = arith.constant 0 : i32
    %add3A_6 = arith.addi %mul3A_2, %add3A_5 : i32
    %dma_start3A = arith.constant 0 : i32
    %dma_start3A_7 = arith.constant 0 : i32
    %dma_start3A_8 = arith.constant 0 : i32
    %dma_start3A_9 = tpu.memref_slice %arg6[%dma_start3A, %dma_start3A_7, %dma_start3A_8] : memref<8x2x128xi32, #tpu.memory_space<vmem>> -> memref<1x2x128xi32, #tpu.memory_space<vmem>>
    %dma_start3A_10 = tpu.memref_squeeze %dma_start3A_9 : memref<1x2x128xi32, #tpu.memory_space<vmem>> -> memref<2x128xi32, #tpu.memory_space<vmem>>
    %dma_start3A_11 = arith.constant 0 : i32
    %dma_start3A_12 = arith.constant 0 : i32
    %dma_start3A_13 = tpu.memref_slice %arg3[%add3A_6, %dma_start3A_11, %dma_start3A_12] : memref<2560x2x128xi32, #tpu.memory_space<hbm>> -> memref<1x2x128xi32, #tpu.memory_space<hbm>>
    %dma_start3A_14 = tpu.memref_squeeze %dma_start3A_13 : memref<1x2x128xi32, #tpu.memory_space<hbm>> -> memref<2x128xi32, #tpu.memory_space<hbm>>
    %dma_start3A_15 = arith.constant 0 : i32
    %dma_start3A_16 = arith.constant 0 : i32
    %dma_start3A_17 = tpu.memref_slice %arg6[%dma_start3A, %dma_start3A_15, %dma_start3A_16] : memref<8x2x128xi32, #tpu.memory_space<vmem>> -> memref<1x2x128xi32, #tpu.memory_space<vmem>>
    %dma_start3A_18 = tpu.memref_squeeze %dma_start3A_17 : memref<1x2x128xi32, #tpu.memory_space<vmem>> -> memref<2x128xi32, #tpu.memory_space<vmem>>
    %dma_start3A_19 = arith.constant 0 : i32
    %dma_start3A_20 = arith.constant 0 : i32
    %dma_start3A_21 = tpu.memref_slice %arg3[%add3A_6, %dma_start3A_19, %dma_start3A_20] : memref<2560x2x128xi32, #tpu.memory_space<hbm>> -> memref<1x2x128xi32, #tpu.memory_space<hbm>>
    %dma_start3A_22 = tpu.memref_squeeze %dma_start3A_21 : memref<1x2x128xi32, #tpu.memory_space<hbm>> -> memref<2x128xi32, #tpu.memory_space<hbm>>
    tpu.enqueue_dma source(%dma_start3A_22 : memref<2x128xi32, #tpu.memory_space<hbm>>) target(%dma_start3A_18 : memref<2x128xi32, #tpu.memory_space<vmem>>) target_semaphore(%arg9 : memref<!tpu.dma_semaphore, #tpu.memory_space<semaphore_mem>>)
    %add3A_23 = arith.constant 1 : i32
    %add3A_24 = arith.addi %mul3A_2, %add3A_23 : i32
    %dma_start3A_25 = arith.constant 1 : i32
    %dma_start3A_26 = arith.constant 0 : i32
    %dma_start3A_27 = arith.constant 0 : i32
    %dma_start3A_28 = tpu.memref_slice %arg6[%dma_start3A_25, %dma_start3A_26, %dma_start3A_27] : memref<8x2x128xi32, #tpu.memory_space<vmem>> -> memref<1x2x128xi32, #tpu.memory_space<vmem>>
    %dma_start3A_29 = tpu.memref_squeeze %dma_start3A_28 : memref<1x2x128xi32, #tpu.memory_space<vmem>> -> memref<2x128xi32, #tpu.memory_space<vmem>>
    %dma_start3A_30 = arith.constant 0 : i32
    %dma_start3A_31 = arith.constant 0 : i32
    %dma_start3A_32 = tpu.memref_slice %arg3[%add3A_24, %dma_start3A_30, %dma_start3A_31] : memref<2560x2x128xi32, #tpu.memory_space<hbm>> -> memref<1x2x128xi32, #tpu.memory_space<hbm>>
    %dma_start3A_33 = tpu.memref_squeeze %dma_start3A_32 : memref<1x2x128xi32, #tpu.memory_space<hbm>> -> memref<2x128xi32, #tpu.memory_space<hbm>>
    %dma_start3A_34 = arith.constant 0 : i32
    %dma_start3A_35 = arith.constant 0 : i32
    %dma_start3A_36 = tpu.memref_slice %arg6[%dma_start3A_25, %dma_start3A_34, %dma_start3A_35] : memref<8x2x128xi32, #tpu.memory_space<vmem>> -> memref<1x2x128xi32, #tpu.memory_space<vmem>>
    %dma_start3A_37 = tpu.memref_squeeze %dma_start3A_36 : memref<1x2x128xi32, #tpu.memory_space<vmem>> -> memref<2x128xi32, #tpu.memory_space<vmem>>
    %dma_start3A_38 = arith.constant 0 : i32
    %dma_start3A_39 = arith.constant 0 : i32
    %dma_start3A_40 = tpu.memref_slice %arg3[%add3A_24, %dma_start3A_38, %dma_start3A_39] : memref<2560x2x128xi32, #tpu.memory_space<hbm>> -> memref<1x2x128xi32, #tpu.memory_space<hbm>>
    %dma_start3A_41 = tpu.memref_squeeze %dma_start3A_40 : memref<1x2x128xi32, #tpu.memory_space<hbm>> -> memref<2x128xi32, #tpu.memory_space<hbm>>
    tpu.enqueue_dma source(%dma_start3A_41 : memref<2x128xi32, #tpu.memory_space<hbm>>) target(%dma_start3A_37 : memref<2x128xi32, #tpu.memory_space<vmem>>) target_semaphore(%arg10 : memref<!tpu.dma_semaphore, #tpu.memory_space<semaphore_mem>>)
    %add3A_42 = arith.constant 2 : i32
    %add3A_43 = arith.addi %mul3A_2, %add3A_42 : i32
    %dma_start3A_44 = arith.constant 2 : i32
    %dma_start3A_45 = arith.constant 0 : i32
    %dma_start3A_46 = arith.constant 0 : i32
    %dma_start3A_47 = tpu.memref_slice %arg6[%dma_start3A_44, %dma_start3A_45, %dma_start3A_46] : memref<8x2x128xi32, #tpu.memory_space<vmem>> -> memref<1x2x128xi32, #tpu.memory_space<vmem>>
    %dma_start3A_48 = tpu.memref_squeeze %dma_start3A_47 : memref<1x2x128xi32, #tpu.memory_space<vmem>> -> memref<2x128xi32, #tpu.memory_space<vmem>>
    %dma_start3A_49 = arith.constant 0 : i32
    %dma_start3A_50 = arith.constant 0 : i32
    %dma_start3A_51 = tpu.memref_slice %arg3[%add3A_43, %dma_start3A_49, %dma_start3A_50] : memref<2560x2x128xi32, #tpu.memory_space<hbm>> -> memref<1x2x128xi32, #tpu.memory_space<hbm>>
    %dma_start3A_52 = tpu.memref_squeeze %dma_start3A_51 : memref<1x2x128xi32, #tpu.memory_space<hbm>> -> memref<2x128xi32, #tpu.memory_space<hbm>>
    %dma_start3A_53 = arith.constant 0 : i32
    %dma_start3A_54 = arith.constant 0 : i32
    %dma_start3A_55 = tpu.memref_slice %arg6[%dma_start3A_44, %dma_start3A_53, %dma_start3A_54] : memref<8x2x128xi32, #tpu.memory_space<vmem>> -> memref<1x2x128xi32, #tpu.memory_space<vmem>>
    %dma_start3A_56 = tpu.memref_squeeze %dma_start3A_55 : memref<1x2x128xi32, #tpu.memory_space<vmem>> -> memref<2x128xi32, #tpu.memory_space<vmem>>
    %dma_start3A_57 = arith.constant 0 : i32
    %dma_start3A_58 = arith.constant 0 : i32
    %dma_start3A_59 = tpu.memref_slice %arg3[%add3A_43, %dma_start3A_57, %dma_start3A_58] : memref<2560x2x128xi32, #tpu.memory_space<hbm>> -> memref<1x2x128xi32, #tpu.memory_space<hbm>>
    %dma_start3A_60 = tpu.memref_squeeze %dma_start3A_59 : memref<1x2x128xi32, #tpu.memory_space<hbm>> -> memref<2x128xi32, #tpu.memory_space<hbm>>
    tpu.enqueue_dma source(%dma_start3A_60 : memref<2x128xi32, #tpu.memory_space<hbm>>) target(%dma_start3A_56 : memref<2x128xi32, #tpu.memory_space<vmem>>) target_semaphore(%arg11 : memref<!tpu.dma_semaphore, #tpu.memory_space<semaphore_mem>>)
    %add3A_61 = arith.constant 3 : i32
    %add3A_62 = arith.addi %mul3A_2, %add3A_61 : i32
    %dma_start3A_63 = arith.constant 3 : i32
    %dma_start3A_64 = arith.constant 0 : i32
    %dma_start3A_65 = arith.constant 0 : i32
    %dma_start3A_66 = tpu.memref_slice %arg6[%dma_start3A_63, %dma_start3A_64, %dma_start3A_65] : memref<8x2x128xi32, #tpu.memory_space<vmem>> -> memref<1x2x128xi32, #tpu.memory_space<vmem>>
    %dma_start3A_67 = tpu.memref_squeeze %dma_start3A_66 : memref<1x2x128xi32, #tpu.memory_space<vmem>> -> memref<2x128xi32, #tpu.memory_space<vmem>>
    %dma_start3A_68 = arith.constant 0 : i32
    %dma_start3A_69 = arith.constant 0 : i32
    %dma_start3A_70 = tpu.memref_slice %arg3[%add3A_62, %dma_start3A_68, %dma_start3A_69] : memref<2560x2x128xi32, #tpu.memory_space<hbm>> -> memref<1x2x128xi32, #tpu.memory_space<hbm>>
    %dma_start3A_71 = tpu.memref_squeeze %dma_start3A_70 : memref<1x2x128xi32, #tpu.memory_space<hbm>> -> memref<2x128xi32, #tpu.memory_space<hbm>>
    %dma_start3A_72 = arith.constant 0 : i32
    %dma_start3A_73 = arith.constant 0 : i32
    %dma_start3A_74 = tpu.memref_slice %arg6[%dma_start3A_63, %dma_start3A_72, %dma_start3A_73] : memref<8x2x128xi32, #tpu.memory_space<vmem>> -> memref<1x2x128xi32, #tpu.memory_space<vmem>>
    %dma_start3A_75 = tpu.memref_squeeze %dma_start3A_74 : memref<1x2x128xi32, #tpu.memory_space<vmem>> -> memref<2x128xi32, #tpu.memory_space<vmem>>
    %dma_start3A_76 = arith.constant 0 : i32
    %dma_start3A_77 = arith.constant 0 : i32
    %dma_start3A_78 = tpu.memref_slice %arg3[%add3A_62, %dma_start3A_76, %dma_start3A_77] : memref<2560x2x128xi32, #tpu.memory_space<hbm>> -> memref<1x2x128xi32, #tpu.memory_space<hbm>>
    %dma_start3A_79 = tpu.memref_squeeze %dma_start3A_78 : memref<1x2x128xi32, #tpu.memory_space<hbm>> -> memref<2x128xi32, #tpu.memory_space<hbm>>
    tpu.enqueue_dma source(%dma_start3A_79 : memref<2x128xi32, #tpu.memory_space<hbm>>) target(%dma_start3A_75 : memref<2x128xi32, #tpu.memory_space<vmem>>) target_semaphore(%arg12 : memref<!tpu.dma_semaphore, #tpu.memory_space<semaphore_mem>>)
    %add3A_80 = arith.constant 0 : i32
    %add3A_81 = arith.addi %mul3A_2, %add3A_80 : i32
    %dma_wait3A = arith.constant 0 : i32
    %dma_wait3A_82 = arith.constant 0 : i32
    %dma_wait3A_83 = arith.constant 0 : i32
    %dma_wait3A_84 = tpu.memref_slice %arg6[%dma_wait3A, %dma_wait3A_82, %dma_wait3A_83] : memref<8x2x128xi32, #tpu.memory_space<vmem>> -> memref<1x2x128xi32, #tpu.memory_space<vmem>>
    %dma_wait3A_85 = tpu.memref_squeeze %dma_wait3A_84 : memref<1x2x128xi32, #tpu.memory_space<vmem>> -> memref<2x128xi32, #tpu.memory_space<vmem>>
    %dma_wait3A_86 = arith.constant 0 : i32
    %dma_wait3A_87 = arith.constant 0 : i32
    %dma_wait3A_88 = tpu.memref_slice %arg3[%add3A_81, %dma_wait3A_86, %dma_wait3A_87] : memref<2560x2x128xi32, #tpu.memory_space<hbm>> -> memref<1x2x128xi32, #tpu.memory_space<hbm>>
    %dma_wait3A_89 = tpu.memref_squeeze %dma_wait3A_88 : memref<1x2x128xi32, #tpu.memory_space<hbm>> -> memref<2x128xi32, #tpu.memory_space<hbm>>
    %dma_wait3A_90 = arith.constant 0 : i32
    %dma_wait3A_91 = arith.constant 0 : i32
    %dma_wait3A_92 = tpu.memref_slice %arg6[%dma_wait3A, %dma_wait3A_90, %dma_wait3A_91] : memref<8x2x128xi32, #tpu.memory_space<vmem>> -> memref<1x2x128xi32, #tpu.memory_space<vmem>>
    %dma_wait3A_93 = tpu.memref_squeeze %dma_wait3A_92 : memref<1x2x128xi32, #tpu.memory_space<vmem>> -> memref<2x128xi32, #tpu.memory_space<vmem>>
    %dma_wait3A_94 = arith.constant 0 : i32
    %dma_wait3A_95 = arith.constant 0 : i32
    %dma_wait3A_96 = tpu.memref_slice %arg3[%add3A_81, %dma_wait3A_94, %dma_wait3A_95] : memref<2560x2x128xi32, #tpu.memory_space<hbm>> -> memref<1x2x128xi32, #tpu.memory_space<hbm>>
    %dma_wait3A_97 = tpu.memref_squeeze %dma_wait3A_96 : memref<1x2x128xi32, #tpu.memory_space<hbm>> -> memref<2x128xi32, #tpu.memory_space<hbm>>
    tpu.wait_dma2 semaphore(%arg9 : memref<!tpu.dma_semaphore, #tpu.memory_space<semaphore_mem>>) src(%dma_wait3A_97 : memref<2x128xi32, #tpu.memory_space<hbm>>) dst(%dma_wait3A_93 : memref<2x128xi32, #tpu.memory_space<vmem>>)
    %dma_start3A_98 = arith.constant 0 : i32
    %dma_start3A_99 = arith.constant 0 : i32
    %dma_start3A_100 = arith.constant 0 : i32
    %dma_start3A_101 = arith.constant 0 : i32
    %dma_start3A_102 = arith.constant 0 : i32
    %dma_start3A_103 = tpu.memref_slice %arg7[%dma_start3A_100, %dma_start3A_101, %dma_start3A_102] : memref<2x128x128xf32, #tpu.memory_space<vmem>> -> memref<1x128x128xf32, #tpu.memory_space<vmem>>
    %dma_start3A_104 = tpu.memref_squeeze %dma_start3A_103 : memref<1x128x128xf32, #tpu.memory_space<vmem>> -> memref<128x128xf32, #tpu.memory_space<vmem>>
    %dma_start3A_105 = arith.constant 0 : i32
    %dma_start3A_106 = tpu.memref_slice %arg6[%dma_start3A_98, %dma_start3A_99, %dma_start3A_105] : memref<8x2x128xi32, #tpu.memory_space<vmem>> -> memref<1x1x128xi32, #tpu.memory_space<vmem>>
    %dma_start3A_107 = tpu.memref_squeeze %dma_start3A_106 : memref<1x1x128xi32, #tpu.memory_space<vmem>> -> memref<128xi32, #tpu.memory_space<vmem>>
    %dma_start3A_108 = arith.constant 0 : i32
    %dma_start3A_109 = arith.constant 0 : i32
    %dma_start3A_110 = tpu.memref_slice %arg2[%dma_start3A_108, %dma_start3A_109] : memref<10240x128xf32, #tpu.memory_space<hbm>> -> memref<10240x128xf32, #tpu.memory_space<hbm>>
    tpu.enqueue_indirect_dma source(%dma_start3A_110 : memref<10240x128xf32, #tpu.memory_space<hbm>>) target(%dma_start3A_104 : memref<128x128xf32, #tpu.memory_space<vmem>>) offsets(%dma_start3A_107 : memref<128xi32, #tpu.memory_space<vmem>>) semaphore(%arg17 : memref<!tpu.dma_semaphore, #tpu.memory_space<semaphore_mem>>)
    %barrier3A = arith.constant 0 : index
    tpu.barrier barrier_id(%barrier3A)
    %scan3A = arith.constant 0 : i32
    %scan3A_111 = arith.constant 0 : i32
    %scan3A_112 = arith.constant 10 : i32
    %scan3A_113 = arith.addi %scan3A_111, %scan3A_112 : i32
    %scan3A_114 = arith.constant 1 : i32
    scf.for %scan3A_145 = %scan3A_111 to %scan3A_113 step %scan3A_114  : i32 {
      %mul3A_146 = arith.constant 8 : i32
      %mul3A_147 = arith.muli %scan3A_145, %mul3A_146 : i32
      %add3A_148 = arith.constant 0 : i32
      %add3A_149 = arith.addi %mul3A_147, %add3A_148 : i32
      %dma_wait3A_150 = arith.constant 0 : i32
      %dma_wait3A_151 = arith.constant 0 : i32
      %dma_wait3A_152 = arith.constant 0 : i32
      %dma_wait3A_153 = arith.constant 0 : i32
      %dma_wait3A_154 = arith.constant 0 : i32
      %dma_wait3A_155 = tpu.memref_slice %arg7[%dma_wait3A_152, %dma_wait3A_153, %dma_wait3A_154] : memref<2x128x128xf32, #tpu.memory_space<vmem>> -> memref<1x128x128xf32, #tpu.memory_space<vmem>>
      %dma_wait3A_156 = tpu.memref_squeeze %dma_wait3A_155 : memref<1x128x128xf32, #tpu.memory_space<vmem>> -> memref<128x128xf32, #tpu.memory_space<vmem>>
      %dma_wait3A_157 = arith.constant 0 : i32
      %dma_wait3A_158 = tpu.memref_slice %arg6[%dma_wait3A_150, %dma_wait3A_151, %dma_wait3A_157] : memref<8x2x128xi32, #tpu.memory_space<vmem>> -> memref<1x1x128xi32, #tpu.memory_space<vmem>>
      %dma_wait3A_159 = tpu.memref_squeeze %dma_wait3A_158 : memref<1x1x128xi32, #tpu.memory_space<vmem>> -> memref<128xi32, #tpu.memory_space<vmem>>
      %dma_wait3A_160 = arith.constant 0 : i32
      %dma_wait3A_161 = arith.constant 0 : i32
      %dma_wait3A_162 = tpu.memref_slice %arg2[%dma_wait3A_160, %dma_wait3A_161] : memref<10240x128xf32, #tpu.memory_space<hbm>> -> memref<10240x128xf32, #tpu.memory_space<hbm>>
      tpu.wait_indirect_dma semaphore(%arg17 : memref<!tpu.dma_semaphore, #tpu.memory_space<semaphore_mem>>) src(%dma_wait3A_162 : memref<10240x128xf32, #tpu.memory_space<hbm>>) dst(%dma_wait3A_156 : memref<128x128xf32, #tpu.memory_space<vmem>>)
      %dma_start3A_163 = arith.constant 0 : i32
      %dma_start3A_164 = arith.constant 0 : i32
      %dma_start3A_165 = arith.constant 1 : i32
      %dma_start3A_166 = arith.constant 0 : i32
      %dma_start3A_167 = arith.constant 0 : i32
      %dma_start3A_168 = tpu.memref_slice %arg7[%dma_start3A_163, %dma_start3A_166, %dma_start3A_167] : memref<2x128x128xf32, #tpu.memory_space<vmem>> -> memref<1x128x128xf32, #tpu.memory_space<vmem>>
      %dma_start3A_169 = tpu.memref_squeeze %dma_start3A_168 : memref<1x128x128xf32, #tpu.memory_space<vmem>> -> memref<128x128xf32, #tpu.memory_space<vmem>>
      %dma_start3A_170 = arith.constant 0 : i32
      %dma_start3A_171 = tpu.memref_slice %arg6[%dma_start3A_164, %dma_start3A_165, %dma_start3A_170] : memref<8x2x128xi32, #tpu.memory_space<vmem>> -> memref<1x1x128xi32, #tpu.memory_space<vmem>>
      %dma_start3A_172 = tpu.memref_squeeze %dma_start3A_171 : memref<1x1x128xi32, #tpu.memory_space<vmem>> -> memref<128xi32, #tpu.memory_space<vmem>>
      %dma_start3A_173 = arith.constant 0 : i32
      %dma_start3A_174 = arith.constant 0 : i32
      %dma_start3A_175 = tpu.memref_slice %arg8[%dma_start3A_173, %dma_start3A_174] : memref<10240x128xf32, #tpu.memory_space<vmem_shared>> -> memref<10240x128xf32, #tpu.memory_space<vmem_shared>>
      tpu.enqueue_indirect_dma source(%dma_start3A_169 : memref<128x128xf32, #tpu.memory_space<vmem>>) target(%dma_start3A_175 : memref<10240x128xf32, #tpu.memory_space<vmem_shared>>) offsets(%dma_start3A_172 : memref<128xi32, #tpu.memory_space<vmem>>) semaphore(%arg19 : memref<!tpu.dma_semaphore, #tpu.memory_space<semaphore_mem>>) {add = true}
      %add3A_176 = arith.constant 4 : i32
      %add3A_177 = arith.addi %add3A_149, %add3A_176 : i32
      %lt3A = arith.constant 80 : i32
      %lt3A_178 = arith.cmpi slt, %add3A_177, %lt3A : i32
      %convert_element_type3A = arith.extui %lt3A_178 : i1 to i32
      %cond3A = arith.constant 0 : i32
      %cond3A_179 = arith.cmpi ne, %convert_element_type3A, %cond3A : i32
      scf.if %cond3A_179 {
        %add3A_495 = arith.addi %mul3A_2, %add3A_149 : i32
        %add3A_496 = arith.constant 4 : i32
        %add3A_497 = arith.addi %add3A_495, %add3A_496 : i32
        %dma_start3A_498 = arith.constant 4 : i32
        %dma_start3A_499 = arith.constant 0 : i32
        %dma_start3A_500 = arith.constant 0 : i32
        %dma_start3A_501 = tpu.memref_slice %arg6[%dma_start3A_498, %dma_start3A_499, %dma_start3A_500] : memref<8x2x128xi32, #tpu.memory_space<vmem>> -> memref<1x2x128xi32, #tpu.memory_space<vmem>>
        %dma_start3A_502 = tpu.memref_squeeze %dma_start3A_501 : memref<1x2x128xi32, #tpu.memory_space<vmem>> -> memref<2x128xi32, #tpu.memory_space<vmem>>
        %dma_start3A_503 = arith.constant 0 : i32
        %dma_start3A_504 = arith.constant 0 : i32
        %dma_start3A_505 = tpu.memref_slice %arg3[%add3A_497, %dma_start3A_503, %dma_start3A_504] : memref<2560x2x128xi32, #tpu.memory_space<hbm>> -> memref<1x2x128xi32, #tpu.memory_space<hbm>>
        %dma_start3A_506 = tpu.memref_squeeze %dma_start3A_505 : memref<1x2x128xi32, #tpu.memory_space<hbm>> -> memref<2x128xi32, #tpu.memory_space<hbm>>
        %dma_start3A_507 = arith.constant 0 : i32
        %dma_start3A_508 = arith.constant 0 : i32
        %dma_start3A_509 = tpu.memref_slice %arg6[%dma_start3A_498, %dma_start3A_507, %dma_start3A_508] : memref<8x2x128xi32, #tpu.memory_space<vmem>> -> memref<1x2x128xi32, #tpu.memory_space<vmem>>
        %dma_start3A_510 = tpu.memref_squeeze %dma_start3A_509 : memref<1x2x128xi32, #tpu.memory_space<vmem>> -> memref<2x128xi32, #tpu.memory_space<vmem>>
        %dma_start3A_511 = arith.constant 0 : i32
        %dma_start3A_512 = arith.constant 0 : i32
        %dma_start3A_513 = tpu.memref_slice %arg3[%add3A_497, %dma_start3A_511, %dma_start3A_512] : memref<2560x2x128xi32, #tpu.memory_space<hbm>> -> memref<1x2x128xi32, #tpu.memory_space<hbm>>
        %dma_start3A_514 = tpu.memref_squeeze %dma_start3A_513 : memref<1x2x128xi32, #tpu.memory_space<hbm>> -> memref<2x128xi32, #tpu.memory_space<hbm>>
        tpu.enqueue_dma source(%dma_start3A_514 : memref<2x128xi32, #tpu.memory_space<hbm>>) target(%dma_start3A_510 : memref<2x128xi32, #tpu.memory_space<vmem>>) target_semaphore(%arg13 : memref<!tpu.dma_semaphore, #tpu.memory_space<semaphore_mem>>)
      } else {
      }
      %add3A_180 = arith.constant 1 : i32
      %add3A_181 = arith.addi %add3A_149, %add3A_180 : i32
      %lt3A_182 = arith.constant 80 : i32
      %lt3A_183 = arith.cmpi slt, %add3A_181, %lt3A_182 : i32
      %convert_element_type3A_184 = arith.extui %lt3A_183 : i1 to i32
      %cond3A_185 = arith.constant 0 : i32
      %cond3A_186 = arith.cmpi ne, %convert_element_type3A_184, %cond3A_185 : i32
      scf.if %cond3A_186 {
        %add3A_495 = arith.addi %mul3A_2, %add3A_149 : i32
        %add3A_496 = arith.constant 1 : i32
        %add3A_497 = arith.addi %add3A_495, %add3A_496 : i32
        %dma_wait3A_498 = arith.constant 1 : i32
        %dma_wait3A_499 = arith.constant 0 : i32
        %dma_wait3A_500 = arith.constant 0 : i32
        %dma_wait3A_501 = tpu.memref_slice %arg6[%dma_wait3A_498, %dma_wait3A_499, %dma_wait3A_500] : memref<8x2x128xi32, #tpu.memory_space<vmem>> -> memref<1x2x128xi32, #tpu.memory_space<vmem>>
        %dma_wait3A_502 = tpu.memref_squeeze %dma_wait3A_501 : memref<1x2x128xi32, #tpu.memory_space<vmem>> -> memref<2x128xi32, #tpu.memory_space<vmem>>
        %dma_wait3A_503 = arith.constant 0 : i32
        %dma_wait3A_504 = arith.constant 0 : i32
        %dma_wait3A_505 = tpu.memref_slice %arg3[%add3A_497, %dma_wait3A_503, %dma_wait3A_504] : memref<2560x2x128xi32, #tpu.memory_space<hbm>> -> memref<1x2x128xi32, #tpu.memory_space<hbm>>
        %dma_wait3A_506 = tpu.memref_squeeze %dma_wait3A_505 : memref<1x2x128xi32, #tpu.memory_space<hbm>> -> memref<2x128xi32, #tpu.memory_space<hbm>>
        %dma_wait3A_507 = arith.constant 0 : i32
        %dma_wait3A_508 = arith.constant 0 : i32
        %dma_wait3A_509 = tpu.memref_slice %arg6[%dma_wait3A_498, %dma_wait3A_507, %dma_wait3A_508] : memref<8x2x128xi32, #tpu.memory_space<vmem>> -> memref<1x2x128xi32, #tpu.memory_space<vmem>>
        %dma_wait3A_510 = tpu.memref_squeeze %dma_wait3A_509 : memref<1x2x128xi32, #tpu.memory_space<vmem>> -> memref<2x128xi32, #tpu.memory_space<vmem>>
        %dma_wait3A_511 = arith.constant 0 : i32
        %dma_wait3A_512 = arith.constant 0 : i32
        %dma_wait3A_513 = tpu.memref_slice %arg3[%add3A_497, %dma_wait3A_511, %dma_wait3A_512] : memref<2560x2x128xi32, #tpu.memory_space<hbm>> -> memref<1x2x128xi32, #tpu.memory_space<hbm>>
        %dma_wait3A_514 = tpu.memref_squeeze %dma_wait3A_513 : memref<1x2x128xi32, #tpu.memory_space<hbm>> -> memref<2x128xi32, #tpu.memory_space<hbm>>
        tpu.wait_dma2 semaphore(%arg10 : memref<!tpu.dma_semaphore, #tpu.memory_space<semaphore_mem>>) src(%dma_wait3A_514 : memref<2x128xi32, #tpu.memory_space<hbm>>) dst(%dma_wait3A_510 : memref<2x128xi32, #tpu.memory_space<vmem>>)
        %ge3A = arith.constant 1 : i32
        %ge3A_515 = arith.cmpi sge, %add3A_149, %ge3A : i32
        %convert_element_type3A_516 = arith.extui %ge3A_515 : i1 to i32
        %cond3A_517 = arith.constant 0 : i32
        %cond3A_518 = arith.cmpi ne, %convert_element_type3A_516, %cond3A_517 : i32
        scf.if %cond3A_518 {
          %dma_wait3A_532 = arith.constant 1 : i32
          %dma_wait3A_533 = arith.constant 7 : i32
          %dma_wait3A_534 = arith.constant 1 : i32
          %dma_wait3A_535 = arith.constant 0 : i32
          %dma_wait3A_536 = arith.constant 0 : i32
          %dma_wait3A_537 = tpu.memref_slice %arg7[%dma_wait3A_532, %dma_wait3A_535, %dma_wait3A_536] : memref<2x128x128xf32, #tpu.memory_space<vmem>> -> memref<1x128x128xf32, #tpu.memory_space<vmem>>
          %dma_wait3A_538 = tpu.memref_squeeze %dma_wait3A_537 : memref<1x128x128xf32, #tpu.memory_space<vmem>> -> memref<128x128xf32, #tpu.memory_space<vmem>>
          %dma_wait3A_539 = arith.constant 0 : i32
          %dma_wait3A_540 = tpu.memref_slice %arg6[%dma_wait3A_533, %dma_wait3A_534, %dma_wait3A_539] : memref<8x2x128xi32, #tpu.memory_space<vmem>> -> memref<1x1x128xi32, #tpu.memory_space<vmem>>
          %dma_wait3A_541 = tpu.memref_squeeze %dma_wait3A_540 : memref<1x1x128xi32, #tpu.memory_space<vmem>> -> memref<128xi32, #tpu.memory_space<vmem>>
          %dma_wait3A_542 = arith.constant 0 : i32
          %dma_wait3A_543 = arith.constant 0 : i32
          %dma_wait3A_544 = tpu.memref_slice %arg8[%dma_wait3A_542, %dma_wait3A_543] : memref<10240x128xf32, #tpu.memory_space<vmem_shared>> -> memref<10240x128xf32, #tpu.memory_space<vmem_shared>>
          tpu.wait_indirect_dma semaphore(%arg20 : memref<!tpu.dma_semaphore, #tpu.memory_space<semaphore_mem>>) src(%dma_wait3A_538 : memref<128x128xf32, #tpu.memory_space<vmem>>) dst(%dma_wait3A_544 : memref<10240x128xf32, #tpu.memory_space<vmem_shared>>)
        } else {
        }
        %dma_start3A_519 = arith.constant 1 : i32
        %dma_start3A_520 = arith.constant 0 : i32
        %dma_start3A_521 = arith.constant 1 : i32
        %dma_start3A_522 = arith.constant 0 : i32
        %dma_start3A_523 = arith.constant 0 : i32
        %dma_start3A_524 = tpu.memref_slice %arg7[%dma_start3A_521, %dma_start3A_522, %dma_start3A_523] : memref<2x128x128xf32, #tpu.memory_space<vmem>> -> memref<1x128x128xf32, #tpu.memory_space<vmem>>
        %dma_start3A_525 = tpu.memref_squeeze %dma_start3A_524 : memref<1x128x128xf32, #tpu.memory_space<vmem>> -> memref<128x128xf32, #tpu.memory_space<vmem>>
        %dma_start3A_526 = arith.constant 0 : i32
        %dma_start3A_527 = tpu.memref_slice %arg6[%dma_start3A_519, %dma_start3A_520, %dma_start3A_526] : memref<8x2x128xi32, #tpu.memory_space<vmem>> -> memref<1x1x128xi32, #tpu.memory_space<vmem>>
        %dma_start3A_528 = tpu.memref_squeeze %dma_start3A_527 : memref<1x1x128xi32, #tpu.memory_space<vmem>> -> memref<128xi32, #tpu.memory_space<vmem>>
        %dma_start3A_529 = arith.constant 0 : i32
        %dma_start3A_530 = arith.constant 0 : i32
        %dma_start3A_531 = tpu.memref_slice %arg2[%dma_start3A_529, %dma_start3A_530] : memref<10240x128xf32, #tpu.memory_space<hbm>> -> memref<10240x128xf32, #tpu.memory_space<hbm>>
        tpu.enqueue_indirect_dma source(%dma_start3A_531 : memref<10240x128xf32, #tpu.memory_space<hbm>>) target(%dma_start3A_525 : memref<128x128xf32, #tpu.memory_space<vmem>>) offsets(%dma_start3A_528 : memref<128xi32, #tpu.memory_space<vmem>>) semaphore(%arg18 : memref<!tpu.dma_semaphore, #tpu.memory_space<semaphore_mem>>)
      } else {
      }
      %mul3A_187 = arith.constant 8 : i32
      %mul3A_188 = arith.muli %scan3A_145, %mul3A_187 : i32
      %add3A_189 = arith.constant 1 : i32
      %add3A_190 = arith.addi %mul3A_188, %add3A_189 : i32
      %dma_wait3A_191 = arith.constant 1 : i32
      %dma_wait3A_192 = arith.constant 0 : i32
      %dma_wait3A_193 = arith.constant 1 : i32
      %dma_wait3A_194 = arith.constant 0 : i32
      %dma_wait3A_195 = arith.constant 0 : i32
      %dma_wait3A_196 = tpu.memref_slice %arg7[%dma_wait3A_193, %dma_wait3A_194, %dma_wait3A_195] : memref<2x128x128xf32, #tpu.memory_space<vmem>> -> memref<1x128x128xf32, #tpu.memory_space<vmem>>
      %dma_wait3A_197 = tpu.memref_squeeze %dma_wait3A_196 : memref<1x128x128xf32, #tpu.memory_space<vmem>> -> memref<128x128xf32, #tpu.memory_space<vmem>>
      %dma_wait3A_198 = arith.constant 0 : i32
      %dma_wait3A_199 = tpu.memref_slice %arg6[%dma_wait3A_191, %dma_wait3A_192, %dma_wait3A_198] : memref<8x2x128xi32, #tpu.memory_space<vmem>> -> memref<1x1x128xi32, #tpu.memory_space<vmem>>
      %dma_wait3A_200 = tpu.memref_squeeze %dma_wait3A_199 : memref<1x1x128xi32, #tpu.memory_space<vmem>> -> memref<128xi32, #tpu.memory_space<vmem>>
      %dma_wait3A_201 = arith.constant 0 : i32
      %dma_wait3A_202 = arith.constant 0 : i32
      %dma_wait3A_203 = tpu.memref_slice %arg2[%dma_wait3A_201, %dma_wait3A_202] : memref<10240x128xf32, #tpu.memory_space<hbm>> -> memref<10240x128xf32, #tpu.memory_space<hbm>>
      tpu.wait_indirect_dma semaphore(%arg18 : memref<!tpu.dma_semaphore, #tpu.memory_space<semaphore_mem>>) src(%dma_wait3A_203 : memref<10240x128xf32, #tpu.memory_space<hbm>>) dst(%dma_wait3A_197 : memref<128x128xf32, #tpu.memory_space<vmem>>)
      %dma_start3A_204 = arith.constant 1 : i32
      %dma_start3A_205 = arith.constant 1 : i32
      %dma_start3A_206 = arith.constant 1 : i32
      %dma_start3A_207 = arith.constant 0 : i32
      %dma_start3A_208 = arith.constant 0 : i32
      %dma_start3A_209 = tpu.memref_slice %arg7[%dma_start3A_204, %dma_start3A_207, %dma_start3A_208] : memref<2x128x128xf32, #tpu.memory_space<vmem>> -> memref<1x128x128xf32, #tpu.memory_space<vmem>>
      %dma_start3A_210 = tpu.memref_squeeze %dma_start3A_209 : memref<1x128x128xf32, #tpu.memory_space<vmem>> -> memref<128x128xf32, #tpu.memory_space<vmem>>
      %dma_start3A_211 = arith.constant 0 : i32
      %dma_start3A_212 = tpu.memref_slice %arg6[%dma_start3A_205, %dma_start3A_206, %dma_start3A_211] : memref<8x2x128xi32, #tpu.memory_space<vmem>> -> memref<1x1x128xi32, #tpu.memory_space<vmem>>
      %dma_start3A_213 = tpu.memref_squeeze %dma_start3A_212 : memref<1x1x128xi32, #tpu.memory_space<vmem>> -> memref<128xi32, #tpu.memory_space<vmem>>
      %dma_start3A_214 = arith.constant 0 : i32
      %dma_start3A_215 = arith.constant 0 : i32
      %dma_start3A_216 = tpu.memref_slice %arg8[%dma_start3A_214, %dma_start3A_215] : memref<10240x128xf32, #tpu.memory_space<vmem_shared>> -> memref<10240x128xf32, #tpu.memory_space<vmem_shared>>
      tpu.enqueue_indirect_dma source(%dma_start3A_210 : memref<128x128xf32, #tpu.memory_space<vmem>>) target(%dma_start3A_216 : memref<10240x128xf32, #tpu.memory_space<vmem_shared>>) offsets(%dma_start3A_213 : memref<128xi32, #tpu.memory_space<vmem>>) semaphore(%arg20 : memref<!tpu.dma_semaphore, #tpu.memory_space<semaphore_mem>>) {add = true}
      %add3A_217 = arith.constant 4 : i32
      %add3A_218 = arith.addi %add3A_190, %add3A_217 : i32
      %lt3A_219 = arith.constant 80 : i32
      %lt3A_220 = arith.cmpi slt, %add3A_218, %lt3A_219 : i32
      %convert_element_type3A_221 = arith.extui %lt3A_220 : i1 to i32
      %cond3A_222 = arith.constant 0 : i32
      %cond3A_223 = arith.cmpi ne, %convert_element_type3A_221, %cond3A_222 : i32
      scf.if %cond3A_223 {
        %add3A_495 = arith.addi %mul3A_2, %add3A_190 : i32
        %add3A_496 = arith.constant 4 : i32
        %add3A_497 = arith.addi %add3A_495, %add3A_496 : i32
        %dma_start3A_498 = arith.constant 5 : i32
        %dma_start3A_499 = arith.constant 0 : i32
        %dma_start3A_500 = arith.constant 0 : i32
        %dma_start3A_501 = tpu.memref_slice %arg6[%dma_start3A_498, %dma_start3A_499, %dma_start3A_500] : memref<8x2x128xi32, #tpu.memory_space<vmem>> -> memref<1x2x128xi32, #tpu.memory_space<vmem>>
        %dma_start3A_502 = tpu.memref_squeeze %dma_start3A_501 : memref<1x2x128xi32, #tpu.memory_space<vmem>> -> memref<2x128xi32, #tpu.memory_space<vmem>>
        %dma_start3A_503 = arith.constant 0 : i32
        %dma_start3A_504 = arith.constant 0 : i32
        %dma_start3A_505 = tpu.memref_slice %arg3[%add3A_497, %dma_start3A_503, %dma_start3A_504] : memref<2560x2x128xi32, #tpu.memory_space<hbm>> -> memref<1x2x128xi32, #tpu.memory_space<hbm>>
        %dma_start3A_506 = tpu.memref_squeeze %dma_start3A_505 : memref<1x2x128xi32, #tpu.memory_space<hbm>> -> memref<2x128xi32, #tpu.memory_space<hbm>>
        %dma_start3A_507 = arith.constant 0 : i32
        %dma_start3A_508 = arith.constant 0 : i32
        %dma_start3A_509 = tpu.memref_slice %arg6[%dma_start3A_498, %dma_start3A_507, %dma_start3A_508] : memref<8x2x128xi32, #tpu.memory_space<vmem>> -> memref<1x2x128xi32, #tpu.memory_space<vmem>>
        %dma_start3A_510 = tpu.memref_squeeze %dma_start3A_509 : memref<1x2x128xi32, #tpu.memory_space<vmem>> -> memref<2x128xi32, #tpu.memory_space<vmem>>
        %dma_start3A_511 = arith.constant 0 : i32
        %dma_start3A_512 = arith.constant 0 : i32
        %dma_start3A_513 = tpu.memref_slice %arg3[%add3A_497, %dma_start3A_511, %dma_start3A_512] : memref<2560x2x128xi32, #tpu.memory_space<hbm>> -> memref<1x2x128xi32, #tpu.memory_space<hbm>>
        %dma_start3A_514 = tpu.memref_squeeze %dma_start3A_513 : memref<1x2x128xi32, #tpu.memory_space<hbm>> -> memref<2x128xi32, #tpu.memory_space<hbm>>
        tpu.enqueue_dma source(%dma_start3A_514 : memref<2x128xi32, #tpu.memory_space<hbm>>) target(%dma_start3A_510 : memref<2x128xi32, #tpu.memory_space<vmem>>) target_semaphore(%arg14 : memref<!tpu.dma_semaphore, #tpu.memory_space<semaphore_mem>>)
      } else {
      }
      %add3A_224 = arith.constant 1 : i32
      %add3A_225 = arith.addi %add3A_190, %add3A_224 : i32
      %lt3A_226 = arith.constant 80 : i32
      %lt3A_227 = arith.cmpi slt, %add3A_225, %lt3A_226 : i32
      %convert_element_type3A_228 = arith.extui %lt3A_227 : i1 to i32
      %cond3A_229 = arith.constant 0 : i32
      %cond3A_230 = arith.cmpi ne, %convert_element_type3A_228, %cond3A_229 : i32
      scf.if %cond3A_230 {
        %add3A_495 = arith.addi %mul3A_2, %add3A_190 : i32
        %add3A_496 = arith.constant 1 : i32
        %add3A_497 = arith.addi %add3A_495, %add3A_496 : i32
        %dma_wait3A_498 = arith.constant 2 : i32
        %dma_wait3A_499 = arith.constant 0 : i32
        %dma_wait3A_500 = arith.constant 0 : i32
        %dma_wait3A_501 = tpu.memref_slice %arg6[%dma_wait3A_498, %dma_wait3A_499, %dma_wait3A_500] : memref<8x2x128xi32, #tpu.memory_space<vmem>> -> memref<1x2x128xi32, #tpu.memory_space<vmem>>
        %dma_wait3A_502 = tpu.memref_squeeze %dma_wait3A_501 : memref<1x2x128xi32, #tpu.memory_space<vmem>> -> memref<2x128xi32, #tpu.memory_space<vmem>>
        %dma_wait3A_503 = arith.constant 0 : i32
        %dma_wait3A_504 = arith.constant 0 : i32
        %dma_wait3A_505 = tpu.memref_slice %arg3[%add3A_497, %dma_wait3A_503, %dma_wait3A_504] : memref<2560x2x128xi32, #tpu.memory_space<hbm>> -> memref<1x2x128xi32, #tpu.memory_space<hbm>>
        %dma_wait3A_506 = tpu.memref_squeeze %dma_wait3A_505 : memref<1x2x128xi32, #tpu.memory_space<hbm>> -> memref<2x128xi32, #tpu.memory_space<hbm>>
        %dma_wait3A_507 = arith.constant 0 : i32
        %dma_wait3A_508 = arith.constant 0 : i32
        %dma_wait3A_509 = tpu.memref_slice %arg6[%dma_wait3A_498, %dma_wait3A_507, %dma_wait3A_508] : memref<8x2x128xi32, #tpu.memory_space<vmem>> -> memref<1x2x128xi32, #tpu.memory_space<vmem>>
        %dma_wait3A_510 = tpu.memref_squeeze %dma_wait3A_509 : memref<1x2x128xi32, #tpu.memory_space<vmem>> -> memref<2x128xi32, #tpu.memory_space<vmem>>
        %dma_wait3A_511 = arith.constant 0 : i32
        %dma_wait3A_512 = arith.constant 0 : i32
        %dma_wait3A_513 = tpu.memref_slice %arg3[%add3A_497, %dma_wait3A_511, %dma_wait3A_512] : memref<2560x2x128xi32, #tpu.memory_space<hbm>> -> memref<1x2x128xi32, #tpu.memory_space<hbm>>
        %dma_wait3A_514 = tpu.memref_squeeze %dma_wait3A_513 : memref<1x2x128xi32, #tpu.memory_space<hbm>> -> memref<2x128xi32, #tpu.memory_space<hbm>>
        tpu.wait_dma2 semaphore(%arg11 : memref<!tpu.dma_semaphore, #tpu.memory_space<semaphore_mem>>) src(%dma_wait3A_514 : memref<2x128xi32, #tpu.memory_space<hbm>>) dst(%dma_wait3A_510 : memref<2x128xi32, #tpu.memory_space<vmem>>)
        %ge3A = arith.constant 1 : i32
        %ge3A_515 = arith.cmpi sge, %add3A_190, %ge3A : i32
        %convert_element_type3A_516 = arith.extui %ge3A_515 : i1 to i32
        %cond3A_517 = arith.constant 0 : i32
        %cond3A_518 = arith.cmpi ne, %convert_element_type3A_516, %cond3A_517 : i32
        scf.if %cond3A_518 {
          %dma_wait3A_532 = arith.constant 0 : i32
          %dma_wait3A_533 = arith.constant 0 : i32
          %dma_wait3A_534 = arith.constant 1 : i32
          %dma_wait3A_535 = arith.constant 0 : i32
          %dma_wait3A_536 = arith.constant 0 : i32
          %dma_wait3A_537 = tpu.memref_slice %arg7[%dma_wait3A_532, %dma_wait3A_535, %dma_wait3A_536] : memref<2x128x128xf32, #tpu.memory_space<vmem>> -> memref<1x128x128xf32, #tpu.memory_space<vmem>>
          %dma_wait3A_538 = tpu.memref_squeeze %dma_wait3A_537 : memref<1x128x128xf32, #tpu.memory_space<vmem>> -> memref<128x128xf32, #tpu.memory_space<vmem>>
          %dma_wait3A_539 = arith.constant 0 : i32
          %dma_wait3A_540 = tpu.memref_slice %arg6[%dma_wait3A_533, %dma_wait3A_534, %dma_wait3A_539] : memref<8x2x128xi32, #tpu.memory_space<vmem>> -> memref<1x1x128xi32, #tpu.memory_space<vmem>>
          %dma_wait3A_541 = tpu.memref_squeeze %dma_wait3A_540 : memref<1x1x128xi32, #tpu.memory_space<vmem>> -> memref<128xi32, #tpu.memory_space<vmem>>
          %dma_wait3A_542 = arith.constant 0 : i32
          %dma_wait3A_543 = arith.constant 0 : i32
          %dma_wait3A_544 = tpu.memref_slice %arg8[%dma_wait3A_542, %dma_wait3A_543] : memref<10240x128xf32, #tpu.memory_space<vmem_shared>> -> memref<10240x128xf32, #tpu.memory_space<vmem_shared>>
          tpu.wait_indirect_dma semaphore(%arg19 : memref<!tpu.dma_semaphore, #tpu.memory_space<semaphore_mem>>) src(%dma_wait3A_538 : memref<128x128xf32, #tpu.memory_space<vmem>>) dst(%dma_wait3A_544 : memref<10240x128xf32, #tpu.memory_space<vmem_shared>>)
        } else {
        }
        %dma_start3A_519 = arith.constant 2 : i32
        %dma_start3A_520 = arith.constant 0 : i32
        %dma_start3A_521 = arith.constant 0 : i32
        %dma_start3A_522 = arith.constant 0 : i32
        %dma_start3A_523 = arith.constant 0 : i32
        %dma_start3A_524 = tpu.memref_slice %arg7[%dma_start3A_521, %dma_start3A_522, %dma_start3A_523] : memref<2x128x128xf32, #tpu.memory_space<vmem>> -> memref<1x128x128xf32, #tpu.memory_space<vmem>>
        %dma_start3A_525 = tpu.memref_squeeze %dma_start3A_524 : memref<1x128x128xf32, #tpu.memory_space<vmem>> -> memref<128x128xf32, #tpu.memory_space<vmem>>
        %dma_start3A_526 = arith.constant 0 : i32
        %dma_start3A_527 = tpu.memref_slice %arg6[%dma_start3A_519, %dma_start3A_520, %dma_start3A_526] : memref<8x2x128xi32, #tpu.memory_space<vmem>> -> memref<1x1x128xi32, #tpu.memory_space<vmem>>
        %dma_start3A_528 = tpu.memref_squeeze %dma_start3A_527 : memref<1x1x128xi32, #tpu.memory_space<vmem>> -> memref<128xi32, #tpu.memory_space<vmem>>
        %dma_start3A_529 = arith.constant 0 : i32
        %dma_start3A_530 = arith.constant 0 : i32
        %dma_start3A_531 = tpu.memref_slice %arg2[%dma_start3A_529, %dma_start3A_530] : memref<10240x128xf32, #tpu.memory_space<hbm>> -> memref<10240x128xf32, #tpu.memory_space<hbm>>
        tpu.enqueue_indirect_dma source(%dma_start3A_531 : memref<10240x128xf32, #tpu.memory_space<hbm>>) target(%dma_start3A_525 : memref<128x128xf32, #tpu.memory_space<vmem>>) offsets(%dma_start3A_528 : memref<128xi32, #tpu.memory_space<vmem>>) semaphore(%arg17 : memref<!tpu.dma_semaphore, #tpu.memory_space<semaphore_mem>>)
      } else {
      }
      %mul3A_231 = arith.constant 8 : i32
      %mul3A_232 = arith.muli %scan3A_145, %mul3A_231 : i32
      %add3A_233 = arith.constant 2 : i32
      %add3A_234 = arith.addi %mul3A_232, %add3A_233 : i32
      %dma_wait3A_235 = arith.constant 2 : i32
      %dma_wait3A_236 = arith.constant 0 : i32
      %dma_wait3A_237 = arith.constant 0 : i32
      %dma_wait3A_238 = arith.constant 0 : i32
      %dma_wait3A_239 = arith.constant 0 : i32
      %dma_wait3A_240 = tpu.memref_slice %arg7[%dma_wait3A_237, %dma_wait3A_238, %dma_wait3A_239] : memref<2x128x128xf32, #tpu.memory_space<vmem>> -> memref<1x128x128xf32, #tpu.memory_space<vmem>>
      %dma_wait3A_241 = tpu.memref_squeeze %dma_wait3A_240 : memref<1x128x128xf32, #tpu.memory_space<vmem>> -> memref<128x128xf32, #tpu.memory_space<vmem>>
      %dma_wait3A_242 = arith.constant 0 : i32
      %dma_wait3A_243 = tpu.memref_slice %arg6[%dma_wait3A_235, %dma_wait3A_236, %dma_wait3A_242] : memref<8x2x128xi32, #tpu.memory_space<vmem>> -> memref<1x1x128xi32, #tpu.memory_space<vmem>>
      %dma_wait3A_244 = tpu.memref_squeeze %dma_wait3A_243 : memref<1x1x128xi32, #tpu.memory_space<vmem>> -> memref<128xi32, #tpu.memory_space<vmem>>
      %dma_wait3A_245 = arith.constant 0 : i32
      %dma_wait3A_246 = arith.constant 0 : i32
      %dma_wait3A_247 = tpu.memref_slice %arg2[%dma_wait3A_245, %dma_wait3A_246] : memref<10240x128xf32, #tpu.memory_space<hbm>> -> memref<10240x128xf32, #tpu.memory_space<hbm>>
      tpu.wait_indirect_dma semaphore(%arg17 : memref<!tpu.dma_semaphore, #tpu.memory_space<semaphore_mem>>) src(%dma_wait3A_247 : memref<10240x128xf32, #tpu.memory_space<hbm>>) dst(%dma_wait3A_241 : memref<128x128xf32, #tpu.memory_space<vmem>>)
      %dma_start3A_248 = arith.constant 0 : i32
      %dma_start3A_249 = arith.constant 2 : i32
      %dma_start3A_250 = arith.constant 1 : i32
      %dma_start3A_251 = arith.constant 0 : i32
      %dma_start3A_252 = arith.constant 0 : i32
      %dma_start3A_253 = tpu.memref_slice %arg7[%dma_start3A_248, %dma_start3A_251, %dma_start3A_252] : memref<2x128x128xf32, #tpu.memory_space<vmem>> -> memref<1x128x128xf32, #tpu.memory_space<vmem>>
      %dma_start3A_254 = tpu.memref_squeeze %dma_start3A_253 : memref<1x128x128xf32, #tpu.memory_space<vmem>> -> memref<128x128xf32, #tpu.memory_space<vmem>>
      %dma_start3A_255 = arith.constant 0 : i32
      %dma_start3A_256 = tpu.memref_slice %arg6[%dma_start3A_249, %dma_start3A_250, %dma_start3A_255] : memref<8x2x128xi32, #tpu.memory_space<vmem>> -> memref<1x1x128xi32, #tpu.memory_space<vmem>>
      %dma_start3A_257 = tpu.memref_squeeze %dma_start3A_256 : memref<1x1x128xi32, #tpu.memory_space<vmem>> -> memref<128xi32, #tpu.memory_space<vmem>>
      %dma_start3A_258 = arith.constant 0 : i32
      %dma_start3A_259 = arith.constant 0 : i32
      %dma_start3A_260 = tpu.memref_slice %arg8[%dma_start3A_258, %dma_start3A_259] : memref<10240x128xf32, #tpu.memory_space<vmem_shared>> -> memref<10240x128xf32, #tpu.memory_space<vmem_shared>>
      tpu.enqueue_indirect_dma source(%dma_start3A_254 : memref<128x128xf32, #tpu.memory_space<vmem>>) target(%dma_start3A_260 : memref<10240x128xf32, #tpu.memory_space<vmem_shared>>) offsets(%dma_start3A_257 : memref<128xi32, #tpu.memory_space<vmem>>) semaphore(%arg19 : memref<!tpu.dma_semaphore, #tpu.memory_space<semaphore_mem>>) {add = true}
      %add3A_261 = arith.constant 4 : i32
      %add3A_262 = arith.addi %add3A_234, %add3A_261 : i32
      %lt3A_263 = arith.constant 80 : i32
      %lt3A_264 = arith.cmpi slt, %add3A_262, %lt3A_263 : i32
      %convert_element_type3A_265 = arith.extui %lt3A_264 : i1 to i32
      %cond3A_266 = arith.constant 0 : i32
      %cond3A_267 = arith.cmpi ne, %convert_element_type3A_265, %cond3A_266 : i32
      scf.if %cond3A_267 {
        %add3A_495 = arith.addi %mul3A_2, %add3A_234 : i32
        %add3A_496 = arith.constant 4 : i32
        %add3A_497 = arith.addi %add3A_495, %add3A_496 : i32
        %dma_start3A_498 = arith.constant 6 : i32
        %dma_start3A_499 = arith.constant 0 : i32
        %dma_start3A_500 = arith.constant 0 : i32
        %dma_start3A_501 = tpu.memref_slice %arg6[%dma_start3A_498, %dma_start3A_499, %dma_start3A_500] : memref<8x2x128xi32, #tpu.memory_space<vmem>> -> memref<1x2x128xi32, #tpu.memory_space<vmem>>
        %dma_start3A_502 = tpu.memref_squeeze %dma_start3A_501 : memref<1x2x128xi32, #tpu.memory_space<vmem>> -> memref<2x128xi32, #tpu.memory_space<vmem>>
        %dma_start3A_503 = arith.constant 0 : i32
        %dma_start3A_504 = arith.constant 0 : i32
        %dma_start3A_505 = tpu.memref_slice %arg3[%add3A_497, %dma_start3A_503, %dma_start3A_504] : memref<2560x2x128xi32, #tpu.memory_space<hbm>> -> memref<1x2x128xi32, #tpu.memory_space<hbm>>
        %dma_start3A_506 = tpu.memref_squeeze %dma_start3A_505 : memref<1x2x128xi32, #tpu.memory_space<hbm>> -> memref<2x128xi32, #tpu.memory_space<hbm>>
        %dma_start3A_507 = arith.constant 0 : i32
        %dma_start3A_508 = arith.constant 0 : i32
        %dma_start3A_509 = tpu.memref_slice %arg6[%dma_start3A_498, %dma_start3A_507, %dma_start3A_508] : memref<8x2x128xi32, #tpu.memory_space<vmem>> -> memref<1x2x128xi32, #tpu.memory_space<vmem>>
        %dma_start3A_510 = tpu.memref_squeeze %dma_start3A_509 : memref<1x2x128xi32, #tpu.memory_space<vmem>> -> memref<2x128xi32, #tpu.memory_space<vmem>>
        %dma_start3A_511 = arith.constant 0 : i32
        %dma_start3A_512 = arith.constant 0 : i32
        %dma_start3A_513 = tpu.memref_slice %arg3[%add3A_497, %dma_start3A_511, %dma_start3A_512] : memref<2560x2x128xi32, #tpu.memory_space<hbm>> -> memref<1x2x128xi32, #tpu.memory_space<hbm>>
        %dma_start3A_514 = tpu.memref_squeeze %dma_start3A_513 : memref<1x2x128xi32, #tpu.memory_space<hbm>> -> memref<2x128xi32, #tpu.memory_space<hbm>>
        tpu.enqueue_dma source(%dma_start3A_514 : memref<2x128xi32, #tpu.memory_space<hbm>>) target(%dma_start3A_510 : memref<2x128xi32, #tpu.memory_space<vmem>>) target_semaphore(%arg15 : memref<!tpu.dma_semaphore, #tpu.memory_space<semaphore_mem>>)
      } else {
      }
      %add3A_268 = arith.constant 1 : i32
      %add3A_269 = arith.addi %add3A_234, %add3A_268 : i32
      %lt3A_270 = arith.constant 80 : i32
      %lt3A_271 = arith.cmpi slt, %add3A_269, %lt3A_270 : i32
      %convert_element_type3A_272 = arith.extui %lt3A_271 : i1 to i32
      %cond3A_273 = arith.constant 0 : i32
      %cond3A_274 = arith.cmpi ne, %convert_element_type3A_272, %cond3A_273 : i32
      scf.if %cond3A_274 {
        %add3A_495 = arith.addi %mul3A_2, %add3A_234 : i32
        %add3A_496 = arith.constant 1 : i32
        %add3A_497 = arith.addi %add3A_495, %add3A_496 : i32
        %dma_wait3A_498 = arith.constant 3 : i32
        %dma_wait3A_499 = arith.constant 0 : i32
        %dma_wait3A_500 = arith.constant 0 : i32
        %dma_wait3A_501 = tpu.memref_slice %arg6[%dma_wait3A_498, %dma_wait3A_499, %dma_wait3A_500] : memref<8x2x128xi32, #tpu.memory_space<vmem>> -> memref<1x2x128xi32, #tpu.memory_space<vmem>>
        %dma_wait3A_502 = tpu.memref_squeeze %dma_wait3A_501 : memref<1x2x128xi32, #tpu.memory_space<vmem>> -> memref<2x128xi32, #tpu.memory_space<vmem>>
        %dma_wait3A_503 = arith.constant 0 : i32
        %dma_wait3A_504 = arith.constant 0 : i32
        %dma_wait3A_505 = tpu.memref_slice %arg3[%add3A_497, %dma_wait3A_503, %dma_wait3A_504] : memref<2560x2x128xi32, #tpu.memory_space<hbm>> -> memref<1x2x128xi32, #tpu.memory_space<hbm>>
        %dma_wait3A_506 = tpu.memref_squeeze %dma_wait3A_505 : memref<1x2x128xi32, #tpu.memory_space<hbm>> -> memref<2x128xi32, #tpu.memory_space<hbm>>
        %dma_wait3A_507 = arith.constant 0 : i32
        %dma_wait3A_508 = arith.constant 0 : i32
        %dma_wait3A_509 = tpu.memref_slice %arg6[%dma_wait3A_498, %dma_wait3A_507, %dma_wait3A_508] : memref<8x2x128xi32, #tpu.memory_space<vmem>> -> memref<1x2x128xi32, #tpu.memory_space<vmem>>
        %dma_wait3A_510 = tpu.memref_squeeze %dma_wait3A_509 : memref<1x2x128xi32, #tpu.memory_space<vmem>> -> memref<2x128xi32, #tpu.memory_space<vmem>>
        %dma_wait3A_511 = arith.constant 0 : i32
        %dma_wait3A_512 = arith.constant 0 : i32
        %dma_wait3A_513 = tpu.memref_slice %arg3[%add3A_497, %dma_wait3A_511, %dma_wait3A_512] : memref<2560x2x128xi32, #tpu.memory_space<hbm>> -> memref<1x2x128xi32, #tpu.memory_space<hbm>>
        %dma_wait3A_514 = tpu.memref_squeeze %dma_wait3A_513 : memref<1x2x128xi32, #tpu.memory_space<hbm>> -> memref<2x128xi32, #tpu.memory_space<hbm>>
        tpu.wait_dma2 semaphore(%arg12 : memref<!tpu.dma_semaphore, #tpu.memory_space<semaphore_mem>>) src(%dma_wait3A_514 : memref<2x128xi32, #tpu.memory_space<hbm>>) dst(%dma_wait3A_510 : memref<2x128xi32, #tpu.memory_space<vmem>>)
        %ge3A = arith.constant 1 : i32
        %ge3A_515 = arith.cmpi sge, %add3A_234, %ge3A : i32
        %convert_element_type3A_516 = arith.extui %ge3A_515 : i1 to i32
        %cond3A_517 = arith.constant 0 : i32
        %cond3A_518 = arith.cmpi ne, %convert_element_type3A_516, %cond3A_517 : i32
        scf.if %cond3A_518 {
          %dma_wait3A_532 = arith.constant 1 : i32
          %dma_wait3A_533 = arith.constant 1 : i32
          %dma_wait3A_534 = arith.constant 1 : i32
          %dma_wait3A_535 = arith.constant 0 : i32
          %dma_wait3A_536 = arith.constant 0 : i32
          %dma_wait3A_537 = tpu.memref_slice %arg7[%dma_wait3A_532, %dma_wait3A_535, %dma_wait3A_536] : memref<2x128x128xf32, #tpu.memory_space<vmem>> -> memref<1x128x128xf32, #tpu.memory_space<vmem>>
          %dma_wait3A_538 = tpu.memref_squeeze %dma_wait3A_537 : memref<1x128x128xf32, #tpu.memory_space<vmem>> -> memref<128x128xf32, #tpu.memory_space<vmem>>
          %dma_wait3A_539 = arith.constant 0 : i32
          %dma_wait3A_540 = tpu.memref_slice %arg6[%dma_wait3A_533, %dma_wait3A_534, %dma_wait3A_539] : memref<8x2x128xi32, #tpu.memory_space<vmem>> -> memref<1x1x128xi32, #tpu.memory_space<vmem>>
          %dma_wait3A_541 = tpu.memref_squeeze %dma_wait3A_540 : memref<1x1x128xi32, #tpu.memory_space<vmem>> -> memref<128xi32, #tpu.memory_space<vmem>>
          %dma_wait3A_542 = arith.constant 0 : i32
          %dma_wait3A_543 = arith.constant 0 : i32
          %dma_wait3A_544 = tpu.memref_slice %arg8[%dma_wait3A_542, %dma_wait3A_543] : memref<10240x128xf32, #tpu.memory_space<vmem_shared>> -> memref<10240x128xf32, #tpu.memory_space<vmem_shared>>
          tpu.wait_indirect_dma semaphore(%arg20 : memref<!tpu.dma_semaphore, #tpu.memory_space<semaphore_mem>>) src(%dma_wait3A_538 : memref<128x128xf32, #tpu.memory_space<vmem>>) dst(%dma_wait3A_544 : memref<10240x128xf32, #tpu.memory_space<vmem_shared>>)
        } else {
        }
        %dma_start3A_519 = arith.constant 3 : i32
        %dma_start3A_520 = arith.constant 0 : i32
        %dma_start3A_521 = arith.constant 1 : i32
        %dma_start3A_522 = arith.constant 0 : i32
        %dma_start3A_523 = arith.constant 0 : i32
        %dma_start3A_524 = tpu.memref_slice %arg7[%dma_start3A_521, %dma_start3A_522, %dma_start3A_523] : memref<2x128x128xf32, #tpu.memory_space<vmem>> -> memref<1x128x128xf32, #tpu.memory_space<vmem>>
        %dma_start3A_525 = tpu.memref_squeeze %dma_start3A_524 : memref<1x128x128xf32, #tpu.memory_space<vmem>> -> memref<128x128xf32, #tpu.memory_space<vmem>>
        %dma_start3A_526 = arith.constant 0 : i32
        %dma_start3A_527 = tpu.memref_slice %arg6[%dma_start3A_519, %dma_start3A_520, %dma_start3A_526] : memref<8x2x128xi32, #tpu.memory_space<vmem>> -> memref<1x1x128xi32, #tpu.memory_space<vmem>>
        %dma_start3A_528 = tpu.memref_squeeze %dma_start3A_527 : memref<1x1x128xi32, #tpu.memory_space<vmem>> -> memref<128xi32, #tpu.memory_space<vmem>>
        %dma_start3A_529 = arith.constant 0 : i32
        %dma_start3A_530 = arith.constant 0 : i32
        %dma_start3A_531 = tpu.memref_slice %arg2[%dma_start3A_529, %dma_start3A_530] : memref<10240x128xf32, #tpu.memory_space<hbm>> -> memref<10240x128xf32, #tpu.memory_space<hbm>>
        tpu.enqueue_indirect_dma source(%dma_start3A_531 : memref<10240x128xf32, #tpu.memory_space<hbm>>) target(%dma_start3A_525 : memref<128x128xf32, #tpu.memory_space<vmem>>) offsets(%dma_start3A_528 : memref<128xi32, #tpu.memory_space<vmem>>) semaphore(%arg18 : memref<!tpu.dma_semaphore, #tpu.memory_space<semaphore_mem>>)
      } else {
      }
      %mul3A_275 = arith.constant 8 : i32
      %mul3A_276 = arith.muli %scan3A_145, %mul3A_275 : i32
      %add3A_277 = arith.constant 3 : i32
      %add3A_278 = arith.addi %mul3A_276, %add3A_277 : i32
      %dma_wait3A_279 = arith.constant 3 : i32
      %dma_wait3A_280 = arith.constant 0 : i32
      %dma_wait3A_281 = arith.constant 1 : i32
      %dma_wait3A_282 = arith.constant 0 : i32
      %dma_wait3A_283 = arith.constant 0 : i32
      %dma_wait3A_284 = tpu.memref_slice %arg7[%dma_wait3A_281, %dma_wait3A_282, %dma_wait3A_283] : memref<2x128x128xf32, #tpu.memory_space<vmem>> -> memref<1x128x128xf32, #tpu.memory_space<vmem>>
      %dma_wait3A_285 = tpu.memref_squeeze %dma_wait3A_284 : memref<1x128x128xf32, #tpu.memory_space<vmem>> -> memref<128x128xf32, #tpu.memory_space<vmem>>
      %dma_wait3A_286 = arith.constant 0 : i32
      %dma_wait3A_287 = tpu.memref_slice %arg6[%dma_wait3A_279, %dma_wait3A_280, %dma_wait3A_286] : memref<8x2x128xi32, #tpu.memory_space<vmem>> -> memref<1x1x128xi32, #tpu.memory_space<vmem>>
      %dma_wait3A_288 = tpu.memref_squeeze %dma_wait3A_287 : memref<1x1x128xi32, #tpu.memory_space<vmem>> -> memref<128xi32, #tpu.memory_space<vmem>>
      %dma_wait3A_289 = arith.constant 0 : i32
      %dma_wait3A_290 = arith.constant 0 : i32
      %dma_wait3A_291 = tpu.memref_slice %arg2[%dma_wait3A_289, %dma_wait3A_290] : memref<10240x128xf32, #tpu.memory_space<hbm>> -> memref<10240x128xf32, #tpu.memory_space<hbm>>
      tpu.wait_indirect_dma semaphore(%arg18 : memref<!tpu.dma_semaphore, #tpu.memory_space<semaphore_mem>>) src(%dma_wait3A_291 : memref<10240x128xf32, #tpu.memory_space<hbm>>) dst(%dma_wait3A_285 : memref<128x128xf32, #tpu.memory_space<vmem>>)
      %dma_start3A_292 = arith.constant 1 : i32
      %dma_start3A_293 = arith.constant 3 : i32
      %dma_start3A_294 = arith.constant 1 : i32
      %dma_start3A_295 = arith.constant 0 : i32
      %dma_start3A_296 = arith.constant 0 : i32
      %dma_start3A_297 = tpu.memref_slice %arg7[%dma_start3A_292, %dma_start3A_295, %dma_start3A_296] : memref<2x128x128xf32, #tpu.memory_space<vmem>> -> memref<1x128x128xf32, #tpu.memory_space<vmem>>
      %dma_start3A_298 = tpu.memref_squeeze %dma_start3A_297 : memref<1x128x128xf32, #tpu.memory_space<vmem>> -> memref<128x128xf32, #tpu.memory_space<vmem>>
      %dma_start3A_299 = arith.constant 0 : i32
      %dma_start3A_300 = tpu.memref_slice %arg6[%dma_start3A_293, %dma_start3A_294, %dma_start3A_299] : memref<8x2x128xi32, #tpu.memory_space<vmem>> -> memref<1x1x128xi32, #tpu.memory_space<vmem>>
      %dma_start3A_301 = tpu.memref_squeeze %dma_start3A_300 : memref<1x1x128xi32, #tpu.memory_space<vmem>> -> memref<128xi32, #tpu.memory_space<vmem>>
      %dma_start3A_302 = arith.constant 0 : i32
      %dma_start3A_303 = arith.constant 0 : i32
      %dma_start3A_304 = tpu.memref_slice %arg8[%dma_start3A_302, %dma_start3A_303] : memref<10240x128xf32, #tpu.memory_space<vmem_shared>> -> memref<10240x128xf32, #tpu.memory_space<vmem_shared>>
      tpu.enqueue_indirect_dma source(%dma_start3A_298 : memref<128x128xf32, #tpu.memory_space<vmem>>) target(%dma_start3A_304 : memref<10240x128xf32, #tpu.memory_space<vmem_shared>>) offsets(%dma_start3A_301 : memref<128xi32, #tpu.memory_space<vmem>>) semaphore(%arg20 : memref<!tpu.dma_semaphore, #tpu.memory_space<semaphore_mem>>) {add = true}
      %add3A_305 = arith.constant 4 : i32
      %add3A_306 = arith.addi %add3A_278, %add3A_305 : i32
      %lt3A_307 = arith.constant 80 : i32
      %lt3A_308 = arith.cmpi slt, %add3A_306, %lt3A_307 : i32
      %convert_element_type3A_309 = arith.extui %lt3A_308 : i1 to i32
      %cond3A_310 = arith.constant 0 : i32
      %cond3A_311 = arith.cmpi ne, %convert_element_type3A_309, %cond3A_310 : i32
      scf.if %cond3A_311 {
        %add3A_495 = arith.addi %mul3A_2, %add3A_278 : i32
        %add3A_496 = arith.constant 4 : i32
        %add3A_497 = arith.addi %add3A_495, %add3A_496 : i32
        %dma_start3A_498 = arith.constant 7 : i32
        %dma_start3A_499 = arith.constant 0 : i32
        %dma_start3A_500 = arith.constant 0 : i32
        %dma_start3A_501 = tpu.memref_slice %arg6[%dma_start3A_498, %dma_start3A_499, %dma_start3A_500] : memref<8x2x128xi32, #tpu.memory_space<vmem>> -> memref<1x2x128xi32, #tpu.memory_space<vmem>>
        %dma_start3A_502 = tpu.memref_squeeze %dma_start3A_501 : memref<1x2x128xi32, #tpu.memory_space<vmem>> -> memref<2x128xi32, #tpu.memory_space<vmem>>
        %dma_start3A_503 = arith.constant 0 : i32
        %dma_start3A_504 = arith.constant 0 : i32
        %dma_start3A_505 = tpu.memref_slice %arg3[%add3A_497, %dma_start3A_503, %dma_start3A_504] : memref<2560x2x128xi32, #tpu.memory_space<hbm>> -> memref<1x2x128xi32, #tpu.memory_space<hbm>>
        %dma_start3A_506 = tpu.memref_squeeze %dma_start3A_505 : memref<1x2x128xi32, #tpu.memory_space<hbm>> -> memref<2x128xi32, #tpu.memory_space<hbm>>
        %dma_start3A_507 = arith.constant 0 : i32
        %dma_start3A_508 = arith.constant 0 : i32
        %dma_start3A_509 = tpu.memref_slice %arg6[%dma_start3A_498, %dma_start3A_507, %dma_start3A_508] : memref<8x2x128xi32, #tpu.memory_space<vmem>> -> memref<1x2x128xi32, #tpu.memory_space<vmem>>
        %dma_start3A_510 = tpu.memref_squeeze %dma_start3A_509 : memref<1x2x128xi32, #tpu.memory_space<vmem>> -> memref<2x128xi32, #tpu.memory_space<vmem>>
        %dma_start3A_511 = arith.constant 0 : i32
        %dma_start3A_512 = arith.constant 0 : i32
        %dma_start3A_513 = tpu.memref_slice %arg3[%add3A_497, %dma_start3A_511, %dma_start3A_512] : memref<2560x2x128xi32, #tpu.memory_space<hbm>> -> memref<1x2x128xi32, #tpu.memory_space<hbm>>
        %dma_start3A_514 = tpu.memref_squeeze %dma_start3A_513 : memref<1x2x128xi32, #tpu.memory_space<hbm>> -> memref<2x128xi32, #tpu.memory_space<hbm>>
        tpu.enqueue_dma source(%dma_start3A_514 : memref<2x128xi32, #tpu.memory_space<hbm>>) target(%dma_start3A_510 : memref<2x128xi32, #tpu.memory_space<vmem>>) target_semaphore(%arg16 : memref<!tpu.dma_semaphore, #tpu.memory_space<semaphore_mem>>)
      } else {
      }
      %add3A_312 = arith.constant 1 : i32
      %add3A_313 = arith.addi %add3A_278, %add3A_312 : i32
      %lt3A_314 = arith.constant 80 : i32
      %lt3A_315 = arith.cmpi slt, %add3A_313, %lt3A_314 : i32
      %convert_element_type3A_316 = arith.extui %lt3A_315 : i1 to i32
      %cond3A_317 = arith.constant 0 : i32
      %cond3A_318 = arith.cmpi ne, %convert_element_type3A_316, %cond3A_317 : i32
      scf.if %cond3A_318 {
        %add3A_495 = arith.addi %mul3A_2, %add3A_278 : i32
        %add3A_496 = arith.constant 1 : i32
        %add3A_497 = arith.addi %add3A_495, %add3A_496 : i32
        %dma_wait3A_498 = arith.constant 4 : i32
        %dma_wait3A_499 = arith.constant 0 : i32
        %dma_wait3A_500 = arith.constant 0 : i32
        %dma_wait3A_501 = tpu.memref_slice %arg6[%dma_wait3A_498, %dma_wait3A_499, %dma_wait3A_500] : memref<8x2x128xi32, #tpu.memory_space<vmem>> -> memref<1x2x128xi32, #tpu.memory_space<vmem>>
        %dma_wait3A_502 = tpu.memref_squeeze %dma_wait3A_501 : memref<1x2x128xi32, #tpu.memory_space<vmem>> -> memref<2x128xi32, #tpu.memory_space<vmem>>
        %dma_wait3A_503 = arith.constant 0 : i32
        %dma_wait3A_504 = arith.constant 0 : i32
        %dma_wait3A_505 = tpu.memref_slice %arg3[%add3A_497, %dma_wait3A_503, %dma_wait3A_504] : memref<2560x2x128xi32, #tpu.memory_space<hbm>> -> memref<1x2x128xi32, #tpu.memory_space<hbm>>
        %dma_wait3A_506 = tpu.memref_squeeze %dma_wait3A_505 : memref<1x2x128xi32, #tpu.memory_space<hbm>> -> memref<2x128xi32, #tpu.memory_space<hbm>>
        %dma_wait3A_507 = arith.constant 0 : i32
        %dma_wait3A_508 = arith.constant 0 : i32
        %dma_wait3A_509 = tpu.memref_slice %arg6[%dma_wait3A_498, %dma_wait3A_507, %dma_wait3A_508] : memref<8x2x128xi32, #tpu.memory_space<vmem>> -> memref<1x2x128xi32, #tpu.memory_space<vmem>>
        %dma_wait3A_510 = tpu.memref_squeeze %dma_wait3A_509 : memref<1x2x128xi32, #tpu.memory_space<vmem>> -> memref<2x128xi32, #tpu.memory_space<vmem>>
        %dma_wait3A_511 = arith.constant 0 : i32
        %dma_wait3A_512 = arith.constant 0 : i32
        %dma_wait3A_513 = tpu.memref_slice %arg3[%add3A_497, %dma_wait3A_511, %dma_wait3A_512] : memref<2560x2x128xi32, #tpu.memory_space<hbm>> -> memref<1x2x128xi32, #tpu.memory_space<hbm>>
        %dma_wait3A_514 = tpu.memref_squeeze %dma_wait3A_513 : memref<1x2x128xi32, #tpu.memory_space<hbm>> -> memref<2x128xi32, #tpu.memory_space<hbm>>
        tpu.wait_dma2 semaphore(%arg13 : memref<!tpu.dma_semaphore, #tpu.memory_space<semaphore_mem>>) src(%dma_wait3A_514 : memref<2x128xi32, #tpu.memory_space<hbm>>) dst(%dma_wait3A_510 : memref<2x128xi32, #tpu.memory_space<vmem>>)
        %ge3A = arith.constant 1 : i32
        %ge3A_515 = arith.cmpi sge, %add3A_278, %ge3A : i32
        %convert_element_type3A_516 = arith.extui %ge3A_515 : i1 to i32
        %cond3A_517 = arith.constant 0 : i32
        %cond3A_518 = arith.cmpi ne, %convert_element_type3A_516, %cond3A_517 : i32
        scf.if %cond3A_518 {
          %dma_wait3A_532 = arith.constant 0 : i32
          %dma_wait3A_533 = arith.constant 2 : i32
          %dma_wait3A_534 = arith.constant 1 : i32
          %dma_wait3A_535 = arith.constant 0 : i32
          %dma_wait3A_536 = arith.constant 0 : i32
          %dma_wait3A_537 = tpu.memref_slice %arg7[%dma_wait3A_532, %dma_wait3A_535, %dma_wait3A_536] : memref<2x128x128xf32, #tpu.memory_space<vmem>> -> memref<1x128x128xf32, #tpu.memory_space<vmem>>
          %dma_wait3A_538 = tpu.memref_squeeze %dma_wait3A_537 : memref<1x128x128xf32, #tpu.memory_space<vmem>> -> memref<128x128xf32, #tpu.memory_space<vmem>>
          %dma_wait3A_539 = arith.constant 0 : i32
          %dma_wait3A_540 = tpu.memref_slice %arg6[%dma_wait3A_533, %dma_wait3A_534, %dma_wait3A_539] : memref<8x2x128xi32, #tpu.memory_space<vmem>> -> memref<1x1x128xi32, #tpu.memory_space<vmem>>
          %dma_wait3A_541 = tpu.memref_squeeze %dma_wait3A_540 : memref<1x1x128xi32, #tpu.memory_space<vmem>> -> memref<128xi32, #tpu.memory_space<vmem>>
          %dma_wait3A_542 = arith.constant 0 : i32
          %dma_wait3A_543 = arith.constant 0 : i32
          %dma_wait3A_544 = tpu.memref_slice %arg8[%dma_wait3A_542, %dma_wait3A_543] : memref<10240x128xf32, #tpu.memory_space<vmem_shared>> -> memref<10240x128xf32, #tpu.memory_space<vmem_shared>>
          tpu.wait_indirect_dma semaphore(%arg19 : memref<!tpu.dma_semaphore, #tpu.memory_space<semaphore_mem>>) src(%dma_wait3A_538 : memref<128x128xf32, #tpu.memory_space<vmem>>) dst(%dma_wait3A_544 : memref<10240x128xf32, #tpu.memory_space<vmem_shared>>)
        } else {
        }
        %dma_start3A_519 = arith.constant 4 : i32
        %dma_start3A_520 = arith.constant 0 : i32
        %dma_start3A_521 = arith.constant 0 : i32
        %dma_start3A_522 = arith.constant 0 : i32
        %dma_start3A_523 = arith.constant 0 : i32
        %dma_start3A_524 = tpu.memref_slice %arg7[%dma_start3A_521, %dma_start3A_522, %dma_start3A_523] : memref<2x128x128xf32, #tpu.memory_space<vmem>> -> memref<1x128x128xf32, #tpu.memory_space<vmem>>
        %dma_start3A_525 = tpu.memref_squeeze %dma_start3A_524 : memref<1x128x128xf32, #tpu.memory_space<vmem>> -> memref<128x128xf32, #tpu.memory_space<vmem>>
        %dma_start3A_526 = arith.constant 0 : i32
        %dma_start3A_527 = tpu.memref_slice %arg6[%dma_start3A_519, %dma_start3A_520, %dma_start3A_526] : memref<8x2x128xi32, #tpu.memory_space<vmem>> -> memref<1x1x128xi32, #tpu.memory_space<vmem>>
        %dma_start3A_528 = tpu.memref_squeeze %dma_start3A_527 : memref<1x1x128xi32, #tpu.memory_space<vmem>> -> memref<128xi32, #tpu.memory_space<vmem>>
        %dma_start3A_529 = arith.constant 0 : i32
        %dma_start3A_530 = arith.constant 0 : i32
        %dma_start3A_531 = tpu.memref_slice %arg2[%dma_start3A_529, %dma_start3A_530] : memref<10240x128xf32, #tpu.memory_space<hbm>> -> memref<10240x128xf32, #tpu.memory_space<hbm>>
        tpu.enqueue_indirect_dma source(%dma_start3A_531 : memref<10240x128xf32, #tpu.memory_space<hbm>>) target(%dma_start3A_525 : memref<128x128xf32, #tpu.memory_space<vmem>>) offsets(%dma_start3A_528 : memref<128xi32, #tpu.memory_space<vmem>>) semaphore(%arg17 : memref<!tpu.dma_semaphore, #tpu.memory_space<semaphore_mem>>)
      } else {
      }
      %mul3A_319 = arith.constant 8 : i32
      %mul3A_320 = arith.muli %scan3A_145, %mul3A_319 : i32
      %add3A_321 = arith.constant 4 : i32
      %add3A_322 = arith.addi %mul3A_320, %add3A_321 : i32
      %dma_wait3A_323 = arith.constant 4 : i32
      %dma_wait3A_324 = arith.constant 0 : i32
      %dma_wait3A_325 = arith.constant 0 : i32
      %dma_wait3A_326 = arith.constant 0 : i32
      %dma_wait3A_327 = arith.constant 0 : i32
      %dma_wait3A_328 = tpu.memref_slice %arg7[%dma_wait3A_325, %dma_wait3A_326, %dma_wait3A_327] : memref<2x128x128xf32, #tpu.memory_space<vmem>> -> memref<1x128x128xf32, #tpu.memory_space<vmem>>
      %dma_wait3A_329 = tpu.memref_squeeze %dma_wait3A_328 : memref<1x128x128xf32, #tpu.memory_space<vmem>> -> memref<128x128xf32, #tpu.memory_space<vmem>>
      %dma_wait3A_330 = arith.constant 0 : i32
      %dma_wait3A_331 = tpu.memref_slice %arg6[%dma_wait3A_323, %dma_wait3A_324, %dma_wait3A_330] : memref<8x2x128xi32, #tpu.memory_space<vmem>> -> memref<1x1x128xi32, #tpu.memory_space<vmem>>
      %dma_wait3A_332 = tpu.memref_squeeze %dma_wait3A_331 : memref<1x1x128xi32, #tpu.memory_space<vmem>> -> memref<128xi32, #tpu.memory_space<vmem>>
      %dma_wait3A_333 = arith.constant 0 : i32
      %dma_wait3A_334 = arith.constant 0 : i32
      %dma_wait3A_335 = tpu.memref_slice %arg2[%dma_wait3A_333, %dma_wait3A_334] : memref<10240x128xf32, #tpu.memory_space<hbm>> -> memref<10240x128xf32, #tpu.memory_space<hbm>>
      tpu.wait_indirect_dma semaphore(%arg17 : memref<!tpu.dma_semaphore, #tpu.memory_space<semaphore_mem>>) src(%dma_wait3A_335 : memref<10240x128xf32, #tpu.memory_space<hbm>>) dst(%dma_wait3A_329 : memref<128x128xf32, #tpu.memory_space<vmem>>)
      %dma_start3A_336 = arith.constant 0 : i32
      %dma_start3A_337 = arith.constant 4 : i32
      %dma_start3A_338 = arith.constant 1 : i32
      %dma_start3A_339 = arith.constant 0 : i32
      %dma_start3A_340 = arith.constant 0 : i32
      %dma_start3A_341 = tpu.memref_slice %arg7[%dma_start3A_336, %dma_start3A_339, %dma_start3A_340] : memref<2x128x128xf32, #tpu.memory_space<vmem>> -> memref<1x128x128xf32, #tpu.memory_space<vmem>>
      %dma_start3A_342 = tpu.memref_squeeze %dma_start3A_341 : memref<1x128x128xf32, #tpu.memory_space<vmem>> -> memref<128x128xf32, #tpu.memory_space<vmem>>
      %dma_start3A_343 = arith.constant 0 : i32
      %dma_start3A_344 = tpu.memref_slice %arg6[%dma_start3A_337, %dma_start3A_338, %dma_start3A_343] : memref<8x2x128xi32, #tpu.memory_space<vmem>> -> memref<1x1x128xi32, #tpu.memory_space<vmem>>
      %dma_start3A_345 = tpu.memref_squeeze %dma_start3A_344 : memref<1x1x128xi32, #tpu.memory_space<vmem>> -> memref<128xi32, #tpu.memory_space<vmem>>
      %dma_start3A_346 = arith.constant 0 : i32
      %dma_start3A_347 = arith.constant 0 : i32
      %dma_start3A_348 = tpu.memref_slice %arg8[%dma_start3A_346, %dma_start3A_347] : memref<10240x128xf32, #tpu.memory_space<vmem_shared>> -> memref<10240x128xf32, #tpu.memory_space<vmem_shared>>
      tpu.enqueue_indirect_dma source(%dma_start3A_342 : memref<128x128xf32, #tpu.memory_space<vmem>>) target(%dma_start3A_348 : memref<10240x128xf32, #tpu.memory_space<vmem_shared>>) offsets(%dma_start3A_345 : memref<128xi32, #tpu.memory_space<vmem>>) semaphore(%arg19 : memref<!tpu.dma_semaphore, #tpu.memory_space<semaphore_mem>>) {add = true}
      %add3A_349 = arith.constant 4 : i32
      %add3A_350 = arith.addi %add3A_322, %add3A_349 : i32
      %lt3A_351 = arith.constant 80 : i32
      %lt3A_352 = arith.cmpi slt, %add3A_350, %lt3A_351 : i32
      %convert_element_type3A_353 = arith.extui %lt3A_352 : i1 to i32
      %cond3A_354 = arith.constant 0 : i32
      %cond3A_355 = arith.cmpi ne, %convert_element_type3A_353, %cond3A_354 : i32
      scf.if %cond3A_355 {
        %add3A_495 = arith.addi %mul3A_2, %add3A_322 : i32
        %add3A_496 = arith.constant 4 : i32
        %add3A_497 = arith.addi %add3A_495, %add3A_496 : i32
        %dma_start3A_498 = arith.constant 0 : i32
        %dma_start3A_499 = arith.constant 0 : i32
        %dma_start3A_500 = arith.constant 0 : i32
        %dma_start3A_501 = tpu.memref_slice %arg6[%dma_start3A_498, %dma_start3A_499, %dma_start3A_500] : memref<8x2x128xi32, #tpu.memory_space<vmem>> -> memref<1x2x128xi32, #tpu.memory_space<vmem>>
        %dma_start3A_502 = tpu.memref_squeeze %dma_start3A_501 : memref<1x2x128xi32, #tpu.memory_space<vmem>> -> memref<2x128xi32, #tpu.memory_space<vmem>>
        %dma_start3A_503 = arith.constant 0 : i32
        %dma_start3A_504 = arith.constant 0 : i32
        %dma_start3A_505 = tpu.memref_slice %arg3[%add3A_497, %dma_start3A_503, %dma_start3A_504] : memref<2560x2x128xi32, #tpu.memory_space<hbm>> -> memref<1x2x128xi32, #tpu.memory_space<hbm>>
        %dma_start3A_506 = tpu.memref_squeeze %dma_start3A_505 : memref<1x2x128xi32, #tpu.memory_space<hbm>> -> memref<2x128xi32, #tpu.memory_space<hbm>>
        %dma_start3A_507 = arith.constant 0 : i32
        %dma_start3A_508 = arith.constant 0 : i32
        %dma_start3A_509 = tpu.memref_slice %arg6[%dma_start3A_498, %dma_start3A_507, %dma_start3A_508] : memref<8x2x128xi32, #tpu.memory_space<vmem>> -> memref<1x2x128xi32, #tpu.memory_space<vmem>>
        %dma_start3A_510 = tpu.memref_squeeze %dma_start3A_509 : memref<1x2x128xi32, #tpu.memory_space<vmem>> -> memref<2x128xi32, #tpu.memory_space<vmem>>
        %dma_start3A_511 = arith.constant 0 : i32
        %dma_start3A_512 = arith.constant 0 : i32
        %dma_start3A_513 = tpu.memref_slice %arg3[%add3A_497, %dma_start3A_511, %dma_start3A_512] : memref<2560x2x128xi32, #tpu.memory_space<hbm>> -> memref<1x2x128xi32, #tpu.memory_space<hbm>>
        %dma_start3A_514 = tpu.memref_squeeze %dma_start3A_513 : memref<1x2x128xi32, #tpu.memory_space<hbm>> -> memref<2x128xi32, #tpu.memory_space<hbm>>
        tpu.enqueue_dma source(%dma_start3A_514 : memref<2x128xi32, #tpu.memory_space<hbm>>) target(%dma_start3A_510 : memref<2x128xi32, #tpu.memory_space<vmem>>) target_semaphore(%arg9 : memref<!tpu.dma_semaphore, #tpu.memory_space<semaphore_mem>>)
      } else {
      }
      %add3A_356 = arith.constant 1 : i32
      %add3A_357 = arith.addi %add3A_322, %add3A_356 : i32
      %lt3A_358 = arith.constant 80 : i32
      %lt3A_359 = arith.cmpi slt, %add3A_357, %lt3A_358 : i32
      %convert_element_type3A_360 = arith.extui %lt3A_359 : i1 to i32
      %cond3A_361 = arith.constant 0 : i32
      %cond3A_362 = arith.cmpi ne, %convert_element_type3A_360, %cond3A_361 : i32
      scf.if %cond3A_362 {
        %add3A_495 = arith.addi %mul3A_2, %add3A_322 : i32
        %add3A_496 = arith.constant 1 : i32
        %add3A_497 = arith.addi %add3A_495, %add3A_496 : i32
        %dma_wait3A_498 = arith.constant 5 : i32
        %dma_wait3A_499 = arith.constant 0 : i32
        %dma_wait3A_500 = arith.constant 0 : i32
        %dma_wait3A_501 = tpu.memref_slice %arg6[%dma_wait3A_498, %dma_wait3A_499, %dma_wait3A_500] : memref<8x2x128xi32, #tpu.memory_space<vmem>> -> memref<1x2x128xi32, #tpu.memory_space<vmem>>
        %dma_wait3A_502 = tpu.memref_squeeze %dma_wait3A_501 : memref<1x2x128xi32, #tpu.memory_space<vmem>> -> memref<2x128xi32, #tpu.memory_space<vmem>>
        %dma_wait3A_503 = arith.constant 0 : i32
        %dma_wait3A_504 = arith.constant 0 : i32
        %dma_wait3A_505 = tpu.memref_slice %arg3[%add3A_497, %dma_wait3A_503, %dma_wait3A_504] : memref<2560x2x128xi32, #tpu.memory_space<hbm>> -> memref<1x2x128xi32, #tpu.memory_space<hbm>>
        %dma_wait3A_506 = tpu.memref_squeeze %dma_wait3A_505 : memref<1x2x128xi32, #tpu.memory_space<hbm>> -> memref<2x128xi32, #tpu.memory_space<hbm>>
        %dma_wait3A_507 = arith.constant 0 : i32
        %dma_wait3A_508 = arith.constant 0 : i32
        %dma_wait3A_509 = tpu.memref_slice %arg6[%dma_wait3A_498, %dma_wait3A_507, %dma_wait3A_508] : memref<8x2x128xi32, #tpu.memory_space<vmem>> -> memref<1x2x128xi32, #tpu.memory_space<vmem>>
        %dma_wait3A_510 = tpu.memref_squeeze %dma_wait3A_509 : memref<1x2x128xi32, #tpu.memory_space<vmem>> -> memref<2x128xi32, #tpu.memory_space<vmem>>
        %dma_wait3A_511 = arith.constant 0 : i32
        %dma_wait3A_512 = arith.constant 0 : i32
        %dma_wait3A_513 = tpu.memref_slice %arg3[%add3A_497, %dma_wait3A_511, %dma_wait3A_512] : memref<2560x2x128xi32, #tpu.memory_space<hbm>> -> memref<1x2x128xi32, #tpu.memory_space<hbm>>
        %dma_wait3A_514 = tpu.memref_squeeze %dma_wait3A_513 : memref<1x2x128xi32, #tpu.memory_space<hbm>> -> memref<2x128xi32, #tpu.memory_space<hbm>>
        tpu.wait_dma2 semaphore(%arg14 : memref<!tpu.dma_semaphore, #tpu.memory_space<semaphore_mem>>) src(%dma_wait3A_514 : memref<2x128xi32, #tpu.memory_space<hbm>>) dst(%dma_wait3A_510 : memref<2x128xi32, #tpu.memory_space<vmem>>)
        %ge3A = arith.constant 1 : i32
        %ge3A_515 = arith.cmpi sge, %add3A_322, %ge3A : i32
        %convert_element_type3A_516 = arith.extui %ge3A_515 : i1 to i32
        %cond3A_517 = arith.constant 0 : i32
        %cond3A_518 = arith.cmpi ne, %convert_element_type3A_516, %cond3A_517 : i32
        scf.if %cond3A_518 {
          %dma_wait3A_532 = arith.constant 1 : i32
          %dma_wait3A_533 = arith.constant 3 : i32
          %dma_wait3A_534 = arith.constant 1 : i32
          %dma_wait3A_535 = arith.constant 0 : i32
          %dma_wait3A_536 = arith.constant 0 : i32
          %dma_wait3A_537 = tpu.memref_slice %arg7[%dma_wait3A_532, %dma_wait3A_535, %dma_wait3A_536] : memref<2x128x128xf32, #tpu.memory_space<vmem>> -> memref<1x128x128xf32, #tpu.memory_space<vmem>>
          %dma_wait3A_538 = tpu.memref_squeeze %dma_wait3A_537 : memref<1x128x128xf32, #tpu.memory_space<vmem>> -> memref<128x128xf32, #tpu.memory_space<vmem>>
          %dma_wait3A_539 = arith.constant 0 : i32
          %dma_wait3A_540 = tpu.memref_slice %arg6[%dma_wait3A_533, %dma_wait3A_534, %dma_wait3A_539] : memref<8x2x128xi32, #tpu.memory_space<vmem>> -> memref<1x1x128xi32, #tpu.memory_space<vmem>>
          %dma_wait3A_541 = tpu.memref_squeeze %dma_wait3A_540 : memref<1x1x128xi32, #tpu.memory_space<vmem>> -> memref<128xi32, #tpu.memory_space<vmem>>
          %dma_wait3A_542 = arith.constant 0 : i32
          %dma_wait3A_543 = arith.constant 0 : i32
          %dma_wait3A_544 = tpu.memref_slice %arg8[%dma_wait3A_542, %dma_wait3A_543] : memref<10240x128xf32, #tpu.memory_space<vmem_shared>> -> memref<10240x128xf32, #tpu.memory_space<vmem_shared>>
          tpu.wait_indirect_dma semaphore(%arg20 : memref<!tpu.dma_semaphore, #tpu.memory_space<semaphore_mem>>) src(%dma_wait3A_538 : memref<128x128xf32, #tpu.memory_space<vmem>>) dst(%dma_wait3A_544 : memref<10240x128xf32, #tpu.memory_space<vmem_shared>>)
        } else {
        }
        %dma_start3A_519 = arith.constant 5 : i32
        %dma_start3A_520 = arith.constant 0 : i32
        %dma_start3A_521 = arith.constant 1 : i32
        %dma_start3A_522 = arith.constant 0 : i32
        %dma_start3A_523 = arith.constant 0 : i32
        %dma_start3A_524 = tpu.memref_slice %arg7[%dma_start3A_521, %dma_start3A_522, %dma_start3A_523] : memref<2x128x128xf32, #tpu.memory_space<vmem>> -> memref<1x128x128xf32, #tpu.memory_space<vmem>>
        %dma_start3A_525 = tpu.memref_squeeze %dma_start3A_524 : memref<1x128x128xf32, #tpu.memory_space<vmem>> -> memref<128x128xf32, #tpu.memory_space<vmem>>
        %dma_start3A_526 = arith.constant 0 : i32
        %dma_start3A_527 = tpu.memref_slice %arg6[%dma_start3A_519, %dma_start3A_520, %dma_start3A_526] : memref<8x2x128xi32, #tpu.memory_space<vmem>> -> memref<1x1x128xi32, #tpu.memory_space<vmem>>
        %dma_start3A_528 = tpu.memref_squeeze %dma_start3A_527 : memref<1x1x128xi32, #tpu.memory_space<vmem>> -> memref<128xi32, #tpu.memory_space<vmem>>
        %dma_start3A_529 = arith.constant 0 : i32
        %dma_start3A_530 = arith.constant 0 : i32
        %dma_start3A_531 = tpu.memref_slice %arg2[%dma_start3A_529, %dma_start3A_530] : memref<10240x128xf32, #tpu.memory_space<hbm>> -> memref<10240x128xf32, #tpu.memory_space<hbm>>
        tpu.enqueue_indirect_dma source(%dma_start3A_531 : memref<10240x128xf32, #tpu.memory_space<hbm>>) target(%dma_start3A_525 : memref<128x128xf32, #tpu.memory_space<vmem>>) offsets(%dma_start3A_528 : memref<128xi32, #tpu.memory_space<vmem>>) semaphore(%arg18 : memref<!tpu.dma_semaphore, #tpu.memory_space<semaphore_mem>>)
      } else {
      }
      %mul3A_363 = arith.constant 8 : i32
      %mul3A_364 = arith.muli %scan3A_145, %mul3A_363 : i32
      %add3A_365 = arith.constant 5 : i32
      %add3A_366 = arith.addi %mul3A_364, %add3A_365 : i32
      %dma_wait3A_367 = arith.constant 5 : i32
      %dma_wait3A_368 = arith.constant 0 : i32
      %dma_wait3A_369 = arith.constant 1 : i32
      %dma_wait3A_370 = arith.constant 0 : i32
      %dma_wait3A_371 = arith.constant 0 : i32
      %dma_wait3A_372 = tpu.memref_slice %arg7[%dma_wait3A_369, %dma_wait3A_370, %dma_wait3A_371] : memref<2x128x128xf32, #tpu.memory_space<vmem>> -> memref<1x128x128xf32, #tpu.memory_space<vmem>>
      %dma_wait3A_373 = tpu.memref_squeeze %dma_wait3A_372 : memref<1x128x128xf32, #tpu.memory_space<vmem>> -> memref<128x128xf32, #tpu.memory_space<vmem>>
      %dma_wait3A_374 = arith.constant 0 : i32
      %dma_wait3A_375 = tpu.memref_slice %arg6[%dma_wait3A_367, %dma_wait3A_368, %dma_wait3A_374] : memref<8x2x128xi32, #tpu.memory_space<vmem>> -> memref<1x1x128xi32, #tpu.memory_space<vmem>>
      %dma_wait3A_376 = tpu.memref_squeeze %dma_wait3A_375 : memref<1x1x128xi32, #tpu.memory_space<vmem>> -> memref<128xi32, #tpu.memory_space<vmem>>
      %dma_wait3A_377 = arith.constant 0 : i32
      %dma_wait3A_378 = arith.constant 0 : i32
      %dma_wait3A_379 = tpu.memref_slice %arg2[%dma_wait3A_377, %dma_wait3A_378] : memref<10240x128xf32, #tpu.memory_space<hbm>> -> memref<10240x128xf32, #tpu.memory_space<hbm>>
      tpu.wait_indirect_dma semaphore(%arg18 : memref<!tpu.dma_semaphore, #tpu.memory_space<semaphore_mem>>) src(%dma_wait3A_379 : memref<10240x128xf32, #tpu.memory_space<hbm>>) dst(%dma_wait3A_373 : memref<128x128xf32, #tpu.memory_space<vmem>>)
      %dma_start3A_380 = arith.constant 1 : i32
      %dma_start3A_381 = arith.constant 5 : i32
      %dma_start3A_382 = arith.constant 1 : i32
      %dma_start3A_383 = arith.constant 0 : i32
      %dma_start3A_384 = arith.constant 0 : i32
      %dma_start3A_385 = tpu.memref_slice %arg7[%dma_start3A_380, %dma_start3A_383, %dma_start3A_384] : memref<2x128x128xf32, #tpu.memory_space<vmem>> -> memref<1x128x128xf32, #tpu.memory_space<vmem>>
      %dma_start3A_386 = tpu.memref_squeeze %dma_start3A_385 : memref<1x128x128xf32, #tpu.memory_space<vmem>> -> memref<128x128xf32, #tpu.memory_space<vmem>>
      %dma_start3A_387 = arith.constant 0 : i32
      %dma_start3A_388 = tpu.memref_slice %arg6[%dma_start3A_381, %dma_start3A_382, %dma_start3A_387] : memref<8x2x128xi32, #tpu.memory_space<vmem>> -> memref<1x1x128xi32, #tpu.memory_space<vmem>>
      %dma_start3A_389 = tpu.memref_squeeze %dma_start3A_388 : memref<1x1x128xi32, #tpu.memory_space<vmem>> -> memref<128xi32, #tpu.memory_space<vmem>>
      %dma_start3A_390 = arith.constant 0 : i32
      %dma_start3A_391 = arith.constant 0 : i32
      %dma_start3A_392 = tpu.memref_slice %arg8[%dma_start3A_390, %dma_start3A_391] : memref<10240x128xf32, #tpu.memory_space<vmem_shared>> -> memref<10240x128xf32, #tpu.memory_space<vmem_shared>>
      tpu.enqueue_indirect_dma source(%dma_start3A_386 : memref<128x128xf32, #tpu.memory_space<vmem>>) target(%dma_start3A_392 : memref<10240x128xf32, #tpu.memory_space<vmem_shared>>) offsets(%dma_start3A_389 : memref<128xi32, #tpu.memory_space<vmem>>) semaphore(%arg20 : memref<!tpu.dma_semaphore, #tpu.memory_space<semaphore_mem>>) {add = true}
      %add3A_393 = arith.constant 4 : i32
      %add3A_394 = arith.addi %add3A_366, %add3A_393 : i32
      %lt3A_395 = arith.constant 80 : i32
      %lt3A_396 = arith.cmpi slt, %add3A_394, %lt3A_395 : i32
      %convert_element_type3A_397 = arith.extui %lt3A_396 : i1 to i32
      %cond3A_398 = arith.constant 0 : i32
      %cond3A_399 = arith.cmpi ne, %convert_element_type3A_397, %cond3A_398 : i32
      scf.if %cond3A_399 {
        %add3A_495 = arith.addi %mul3A_2, %add3A_366 : i32
        %add3A_496 = arith.constant 4 : i32
        %add3A_497 = arith.addi %add3A_495, %add3A_496 : i32
        %dma_start3A_498 = arith.constant 1 : i32
        %dma_start3A_499 = arith.constant 0 : i32
        %dma_start3A_500 = arith.constant 0 : i32
        %dma_start3A_501 = tpu.memref_slice %arg6[%dma_start3A_498, %dma_start3A_499, %dma_start3A_500] : memref<8x2x128xi32, #tpu.memory_space<vmem>> -> memref<1x2x128xi32, #tpu.memory_space<vmem>>
        %dma_start3A_502 = tpu.memref_squeeze %dma_start3A_501 : memref<1x2x128xi32, #tpu.memory_space<vmem>> -> memref<2x128xi32, #tpu.memory_space<vmem>>
        %dma_start3A_503 = arith.constant 0 : i32
        %dma_start3A_504 = arith.constant 0 : i32
        %dma_start3A_505 = tpu.memref_slice %arg3[%add3A_497, %dma_start3A_503, %dma_start3A_504] : memref<2560x2x128xi32, #tpu.memory_space<hbm>> -> memref<1x2x128xi32, #tpu.memory_space<hbm>>
        %dma_start3A_506 = tpu.memref_squeeze %dma_start3A_505 : memref<1x2x128xi32, #tpu.memory_space<hbm>> -> memref<2x128xi32, #tpu.memory_space<hbm>>
        %dma_start3A_507 = arith.constant 0 : i32
        %dma_start3A_508 = arith.constant 0 : i32
        %dma_start3A_509 = tpu.memref_slice %arg6[%dma_start3A_498, %dma_start3A_507, %dma_start3A_508] : memref<8x2x128xi32, #tpu.memory_space<vmem>> -> memref<1x2x128xi32, #tpu.memory_space<vmem>>
        %dma_start3A_510 = tpu.memref_squeeze %dma_start3A_509 : memref<1x2x128xi32, #tpu.memory_space<vmem>> -> memref<2x128xi32, #tpu.memory_space<vmem>>
        %dma_start3A_511 = arith.constant 0 : i32
        %dma_start3A_512 = arith.constant 0 : i32
        %dma_start3A_513 = tpu.memref_slice %arg3[%add3A_497, %dma_start3A_511, %dma_start3A_512] : memref<2560x2x128xi32, #tpu.memory_space<hbm>> -> memref<1x2x128xi32, #tpu.memory_space<hbm>>
        %dma_start3A_514 = tpu.memref_squeeze %dma_start3A_513 : memref<1x2x128xi32, #tpu.memory_space<hbm>> -> memref<2x128xi32, #tpu.memory_space<hbm>>
        tpu.enqueue_dma source(%dma_start3A_514 : memref<2x128xi32, #tpu.memory_space<hbm>>) target(%dma_start3A_510 : memref<2x128xi32, #tpu.memory_space<vmem>>) target_semaphore(%arg10 : memref<!tpu.dma_semaphore, #tpu.memory_space<semaphore_mem>>)
      } else {
      }
      %add3A_400 = arith.constant 1 : i32
      %add3A_401 = arith.addi %add3A_366, %add3A_400 : i32
      %lt3A_402 = arith.constant 80 : i32
      %lt3A_403 = arith.cmpi slt, %add3A_401, %lt3A_402 : i32
      %convert_element_type3A_404 = arith.extui %lt3A_403 : i1 to i32
      %cond3A_405 = arith.constant 0 : i32
      %cond3A_406 = arith.cmpi ne, %convert_element_type3A_404, %cond3A_405 : i32
      scf.if %cond3A_406 {
        %add3A_495 = arith.addi %mul3A_2, %add3A_366 : i32
        %add3A_496 = arith.constant 1 : i32
        %add3A_497 = arith.addi %add3A_495, %add3A_496 : i32
        %dma_wait3A_498 = arith.constant 6 : i32
        %dma_wait3A_499 = arith.constant 0 : i32
        %dma_wait3A_500 = arith.constant 0 : i32
        %dma_wait3A_501 = tpu.memref_slice %arg6[%dma_wait3A_498, %dma_wait3A_499, %dma_wait3A_500] : memref<8x2x128xi32, #tpu.memory_space<vmem>> -> memref<1x2x128xi32, #tpu.memory_space<vmem>>
        %dma_wait3A_502 = tpu.memref_squeeze %dma_wait3A_501 : memref<1x2x128xi32, #tpu.memory_space<vmem>> -> memref<2x128xi32, #tpu.memory_space<vmem>>
        %dma_wait3A_503 = arith.constant 0 : i32
        %dma_wait3A_504 = arith.constant 0 : i32
        %dma_wait3A_505 = tpu.memref_slice %arg3[%add3A_497, %dma_wait3A_503, %dma_wait3A_504] : memref<2560x2x128xi32, #tpu.memory_space<hbm>> -> memref<1x2x128xi32, #tpu.memory_space<hbm>>
        %dma_wait3A_506 = tpu.memref_squeeze %dma_wait3A_505 : memref<1x2x128xi32, #tpu.memory_space<hbm>> -> memref<2x128xi32, #tpu.memory_space<hbm>>
        %dma_wait3A_507 = arith.constant 0 : i32
        %dma_wait3A_508 = arith.constant 0 : i32
        %dma_wait3A_509 = tpu.memref_slice %arg6[%dma_wait3A_498, %dma_wait3A_507, %dma_wait3A_508] : memref<8x2x128xi32, #tpu.memory_space<vmem>> -> memref<1x2x128xi32, #tpu.memory_space<vmem>>
        %dma_wait3A_510 = tpu.memref_squeeze %dma_wait3A_509 : memref<1x2x128xi32, #tpu.memory_space<vmem>> -> memref<2x128xi32, #tpu.memory_space<vmem>>
        %dma_wait3A_511 = arith.constant 0 : i32
        %dma_wait3A_512 = arith.constant 0 : i32
        %dma_wait3A_513 = tpu.memref_slice %arg3[%add3A_497, %dma_wait3A_511, %dma_wait3A_512] : memref<2560x2x128xi32, #tpu.memory_space<hbm>> -> memref<1x2x128xi32, #tpu.memory_space<hbm>>
        %dma_wait3A_514 = tpu.memref_squeeze %dma_wait3A_513 : memref<1x2x128xi32, #tpu.memory_space<hbm>> -> memref<2x128xi32, #tpu.memory_space<hbm>>
        tpu.wait_dma2 semaphore(%arg15 : memref<!tpu.dma_semaphore, #tpu.memory_space<semaphore_mem>>) src(%dma_wait3A_514 : memref<2x128xi32, #tpu.memory_space<hbm>>) dst(%dma_wait3A_510 : memref<2x128xi32, #tpu.memory_space<vmem>>)
        %ge3A = arith.constant 1 : i32
        %ge3A_515 = arith.cmpi sge, %add3A_366, %ge3A : i32
        %convert_element_type3A_516 = arith.extui %ge3A_515 : i1 to i32
        %cond3A_517 = arith.constant 0 : i32
        %cond3A_518 = arith.cmpi ne, %convert_element_type3A_516, %cond3A_517 : i32
        scf.if %cond3A_518 {
          %dma_wait3A_532 = arith.constant 0 : i32
          %dma_wait3A_533 = arith.constant 4 : i32
          %dma_wait3A_534 = arith.constant 1 : i32
          %dma_wait3A_535 = arith.constant 0 : i32
          %dma_wait3A_536 = arith.constant 0 : i32
          %dma_wait3A_537 = tpu.memref_slice %arg7[%dma_wait3A_532, %dma_wait3A_535, %dma_wait3A_536] : memref<2x128x128xf32, #tpu.memory_space<vmem>> -> memref<1x128x128xf32, #tpu.memory_space<vmem>>
          %dma_wait3A_538 = tpu.memref_squeeze %dma_wait3A_537 : memref<1x128x128xf32, #tpu.memory_space<vmem>> -> memref<128x128xf32, #tpu.memory_space<vmem>>
          %dma_wait3A_539 = arith.constant 0 : i32
          %dma_wait3A_540 = tpu.memref_slice %arg6[%dma_wait3A_533, %dma_wait3A_534, %dma_wait3A_539] : memref<8x2x128xi32, #tpu.memory_space<vmem>> -> memref<1x1x128xi32, #tpu.memory_space<vmem>>
          %dma_wait3A_541 = tpu.memref_squeeze %dma_wait3A_540 : memref<1x1x128xi32, #tpu.memory_space<vmem>> -> memref<128xi32, #tpu.memory_space<vmem>>
          %dma_wait3A_542 = arith.constant 0 : i32
          %dma_wait3A_543 = arith.constant 0 : i32
          %dma_wait3A_544 = tpu.memref_slice %arg8[%dma_wait3A_542, %dma_wait3A_543] : memref<10240x128xf32, #tpu.memory_space<vmem_shared>> -> memref<10240x128xf32, #tpu.memory_space<vmem_shared>>
          tpu.wait_indirect_dma semaphore(%arg19 : memref<!tpu.dma_semaphore, #tpu.memory_space<semaphore_mem>>) src(%dma_wait3A_538 : memref<128x128xf32, #tpu.memory_space<vmem>>) dst(%dma_wait3A_544 : memref<10240x128xf32, #tpu.memory_space<vmem_shared>>)
        } else {
        }
        %dma_start3A_519 = arith.constant 6 : i32
        %dma_start3A_520 = arith.constant 0 : i32
        %dma_start3A_521 = arith.constant 0 : i32
        %dma_start3A_522 = arith.constant 0 : i32
        %dma_start3A_523 = arith.constant 0 : i32
        %dma_start3A_524 = tpu.memref_slice %arg7[%dma_start3A_521, %dma_start3A_522, %dma_start3A_523] : memref<2x128x128xf32, #tpu.memory_space<vmem>> -> memref<1x128x128xf32, #tpu.memory_space<vmem>>
        %dma_start3A_525 = tpu.memref_squeeze %dma_start3A_524 : memref<1x128x128xf32, #tpu.memory_space<vmem>> -> memref<128x128xf32, #tpu.memory_space<vmem>>
        %dma_start3A_526 = arith.constant 0 : i32
        %dma_start3A_527 = tpu.memref_slice %arg6[%dma_start3A_519, %dma_start3A_520, %dma_start3A_526] : memref<8x2x128xi32, #tpu.memory_space<vmem>> -> memref<1x1x128xi32, #tpu.memory_space<vmem>>
        %dma_start3A_528 = tpu.memref_squeeze %dma_start3A_527 : memref<1x1x128xi32, #tpu.memory_space<vmem>> -> memref<128xi32, #tpu.memory_space<vmem>>
        %dma_start3A_529 = arith.constant 0 : i32
        %dma_start3A_530 = arith.constant 0 : i32
        %dma_start3A_531 = tpu.memref_slice %arg2[%dma_start3A_529, %dma_start3A_530] : memref<10240x128xf32, #tpu.memory_space<hbm>> -> memref<10240x128xf32, #tpu.memory_space<hbm>>
        tpu.enqueue_indirect_dma source(%dma_start3A_531 : memref<10240x128xf32, #tpu.memory_space<hbm>>) target(%dma_start3A_525 : memref<128x128xf32, #tpu.memory_space<vmem>>) offsets(%dma_start3A_528 : memref<128xi32, #tpu.memory_space<vmem>>) semaphore(%arg17 : memref<!tpu.dma_semaphore, #tpu.memory_space<semaphore_mem>>)
      } else {
      }
      %mul3A_407 = arith.constant 8 : i32
      %mul3A_408 = arith.muli %scan3A_145, %mul3A_407 : i32
      %add3A_409 = arith.constant 6 : i32
      %add3A_410 = arith.addi %mul3A_408, %add3A_409 : i32
      %dma_wait3A_411 = arith.constant 6 : i32
      %dma_wait3A_412 = arith.constant 0 : i32
      %dma_wait3A_413 = arith.constant 0 : i32
      %dma_wait3A_414 = arith.constant 0 : i32
      %dma_wait3A_415 = arith.constant 0 : i32
      %dma_wait3A_416 = tpu.memref_slice %arg7[%dma_wait3A_413, %dma_wait3A_414, %dma_wait3A_415] : memref<2x128x128xf32, #tpu.memory_space<vmem>> -> memref<1x128x128xf32, #tpu.memory_space<vmem>>
      %dma_wait3A_417 = tpu.memref_squeeze %dma_wait3A_416 : memref<1x128x128xf32, #tpu.memory_space<vmem>> -> memref<128x128xf32, #tpu.memory_space<vmem>>
      %dma_wait3A_418 = arith.constant 0 : i32
      %dma_wait3A_419 = tpu.memref_slice %arg6[%dma_wait3A_411, %dma_wait3A_412, %dma_wait3A_418] : memref<8x2x128xi32, #tpu.memory_space<vmem>> -> memref<1x1x128xi32, #tpu.memory_space<vmem>>
      %dma_wait3A_420 = tpu.memref_squeeze %dma_wait3A_419 : memref<1x1x128xi32, #tpu.memory_space<vmem>> -> memref<128xi32, #tpu.memory_space<vmem>>
      %dma_wait3A_421 = arith.constant 0 : i32
      %dma_wait3A_422 = arith.constant 0 : i32
      %dma_wait3A_423 = tpu.memref_slice %arg2[%dma_wait3A_421, %dma_wait3A_422] : memref<10240x128xf32, #tpu.memory_space<hbm>> -> memref<10240x128xf32, #tpu.memory_space<hbm>>
      tpu.wait_indirect_dma semaphore(%arg17 : memref<!tpu.dma_semaphore, #tpu.memory_space<semaphore_mem>>) src(%dma_wait3A_423 : memref<10240x128xf32, #tpu.memory_space<hbm>>) dst(%dma_wait3A_417 : memref<128x128xf32, #tpu.memory_space<vmem>>)
      %dma_start3A_424 = arith.constant 0 : i32
      %dma_start3A_425 = arith.constant 6 : i32
      %dma_start3A_426 = arith.constant 1 : i32
      %dma_start3A_427 = arith.constant 0 : i32
      %dma_start3A_428 = arith.constant 0 : i32
      %dma_start3A_429 = tpu.memref_slice %arg7[%dma_start3A_424, %dma_start3A_427, %dma_start3A_428] : memref<2x128x128xf32, #tpu.memory_space<vmem>> -> memref<1x128x128xf32, #tpu.memory_space<vmem>>
      %dma_start3A_430 = tpu.memref_squeeze %dma_start3A_429 : memref<1x128x128xf32, #tpu.memory_space<vmem>> -> memref<128x128xf32, #tpu.memory_space<vmem>>
      %dma_start3A_431 = arith.constant 0 : i32
      %dma_start3A_432 = tpu.memref_slice %arg6[%dma_start3A_425, %dma_start3A_426, %dma_start3A_431] : memref<8x2x128xi32, #tpu.memory_space<vmem>> -> memref<1x1x128xi32, #tpu.memory_space<vmem>>
      %dma_start3A_433 = tpu.memref_squeeze %dma_start3A_432 : memref<1x1x128xi32, #tpu.memory_space<vmem>> -> memref<128xi32, #tpu.memory_space<vmem>>
      %dma_start3A_434 = arith.constant 0 : i32
      %dma_start3A_435 = arith.constant 0 : i32
      %dma_start3A_436 = tpu.memref_slice %arg8[%dma_start3A_434, %dma_start3A_435] : memref<10240x128xf32, #tpu.memory_space<vmem_shared>> -> memref<10240x128xf32, #tpu.memory_space<vmem_shared>>
      tpu.enqueue_indirect_dma source(%dma_start3A_430 : memref<128x128xf32, #tpu.memory_space<vmem>>) target(%dma_start3A_436 : memref<10240x128xf32, #tpu.memory_space<vmem_shared>>) offsets(%dma_start3A_433 : memref<128xi32, #tpu.memory_space<vmem>>) semaphore(%arg19 : memref<!tpu.dma_semaphore, #tpu.memory_space<semaphore_mem>>) {add = true}
      %add3A_437 = arith.constant 4 : i32
      %add3A_438 = arith.addi %add3A_410, %add3A_437 : i32
      %lt3A_439 = arith.constant 80 : i32
      %lt3A_440 = arith.cmpi slt, %add3A_438, %lt3A_439 : i32
      %convert_element_type3A_441 = arith.extui %lt3A_440 : i1 to i32
      %cond3A_442 = arith.constant 0 : i32
      %cond3A_443 = arith.cmpi ne, %convert_element_type3A_441, %cond3A_442 : i32
      scf.if %cond3A_443 {
        %add3A_495 = arith.addi %mul3A_2, %add3A_410 : i32
        %add3A_496 = arith.constant 4 : i32
        %add3A_497 = arith.addi %add3A_495, %add3A_496 : i32
        %dma_start3A_498 = arith.constant 2 : i32
        %dma_start3A_499 = arith.constant 0 : i32
        %dma_start3A_500 = arith.constant 0 : i32
        %dma_start3A_501 = tpu.memref_slice %arg6[%dma_start3A_498, %dma_start3A_499, %dma_start3A_500] : memref<8x2x128xi32, #tpu.memory_space<vmem>> -> memref<1x2x128xi32, #tpu.memory_space<vmem>>
        %dma_start3A_502 = tpu.memref_squeeze %dma_start3A_501 : memref<1x2x128xi32, #tpu.memory_space<vmem>> -> memref<2x128xi32, #tpu.memory_space<vmem>>
        %dma_start3A_503 = arith.constant 0 : i32
        %dma_start3A_504 = arith.constant 0 : i32
        %dma_start3A_505 = tpu.memref_slice %arg3[%add3A_497, %dma_start3A_503, %dma_start3A_504] : memref<2560x2x128xi32, #tpu.memory_space<hbm>> -> memref<1x2x128xi32, #tpu.memory_space<hbm>>
        %dma_start3A_506 = tpu.memref_squeeze %dma_start3A_505 : memref<1x2x128xi32, #tpu.memory_space<hbm>> -> memref<2x128xi32, #tpu.memory_space<hbm>>
        %dma_start3A_507 = arith.constant 0 : i32
        %dma_start3A_508 = arith.constant 0 : i32
        %dma_start3A_509 = tpu.memref_slice %arg6[%dma_start3A_498, %dma_start3A_507, %dma_start3A_508] : memref<8x2x128xi32, #tpu.memory_space<vmem>> -> memref<1x2x128xi32, #tpu.memory_space<vmem>>
        %dma_start3A_510 = tpu.memref_squeeze %dma_start3A_509 : memref<1x2x128xi32, #tpu.memory_space<vmem>> -> memref<2x128xi32, #tpu.memory_space<vmem>>
        %dma_start3A_511 = arith.constant 0 : i32
        %dma_start3A_512 = arith.constant 0 : i32
        %dma_start3A_513 = tpu.memref_slice %arg3[%add3A_497, %dma_start3A_511, %dma_start3A_512] : memref<2560x2x128xi32, #tpu.memory_space<hbm>> -> memref<1x2x128xi32, #tpu.memory_space<hbm>>
        %dma_start3A_514 = tpu.memref_squeeze %dma_start3A_513 : memref<1x2x128xi32, #tpu.memory_space<hbm>> -> memref<2x128xi32, #tpu.memory_space<hbm>>
        tpu.enqueue_dma source(%dma_start3A_514 : memref<2x128xi32, #tpu.memory_space<hbm>>) target(%dma_start3A_510 : memref<2x128xi32, #tpu.memory_space<vmem>>) target_semaphore(%arg11 : memref<!tpu.dma_semaphore, #tpu.memory_space<semaphore_mem>>)
      } else {
      }
      %add3A_444 = arith.constant 1 : i32
      %add3A_445 = arith.addi %add3A_410, %add3A_444 : i32
      %lt3A_446 = arith.constant 80 : i32
      %lt3A_447 = arith.cmpi slt, %add3A_445, %lt3A_446 : i32
      %convert_element_type3A_448 = arith.extui %lt3A_447 : i1 to i32
      %cond3A_449 = arith.constant 0 : i32
      %cond3A_450 = arith.cmpi ne, %convert_element_type3A_448, %cond3A_449 : i32
      scf.if %cond3A_450 {
        %add3A_495 = arith.addi %mul3A_2, %add3A_410 : i32
        %add3A_496 = arith.constant 1 : i32
        %add3A_497 = arith.addi %add3A_495, %add3A_496 : i32
        %dma_wait3A_498 = arith.constant 7 : i32
        %dma_wait3A_499 = arith.constant 0 : i32
        %dma_wait3A_500 = arith.constant 0 : i32
        %dma_wait3A_501 = tpu.memref_slice %arg6[%dma_wait3A_498, %dma_wait3A_499, %dma_wait3A_500] : memref<8x2x128xi32, #tpu.memory_space<vmem>> -> memref<1x2x128xi32, #tpu.memory_space<vmem>>
        %dma_wait3A_502 = tpu.memref_squeeze %dma_wait3A_501 : memref<1x2x128xi32, #tpu.memory_space<vmem>> -> memref<2x128xi32, #tpu.memory_space<vmem>>
        %dma_wait3A_503 = arith.constant 0 : i32
        %dma_wait3A_504 = arith.constant 0 : i32
        %dma_wait3A_505 = tpu.memref_slice %arg3[%add3A_497, %dma_wait3A_503, %dma_wait3A_504] : memref<2560x2x128xi32, #tpu.memory_space<hbm>> -> memref<1x2x128xi32, #tpu.memory_space<hbm>>
        %dma_wait3A_506 = tpu.memref_squeeze %dma_wait3A_505 : memref<1x2x128xi32, #tpu.memory_space<hbm>> -> memref<2x128xi32, #tpu.memory_space<hbm>>
        %dma_wait3A_507 = arith.constant 0 : i32
        %dma_wait3A_508 = arith.constant 0 : i32
        %dma_wait3A_509 = tpu.memref_slice %arg6[%dma_wait3A_498, %dma_wait3A_507, %dma_wait3A_508] : memref<8x2x128xi32, #tpu.memory_space<vmem>> -> memref<1x2x128xi32, #tpu.memory_space<vmem>>
        %dma_wait3A_510 = tpu.memref_squeeze %dma_wait3A_509 : memref<1x2x128xi32, #tpu.memory_space<vmem>> -> memref<2x128xi32, #tpu.memory_space<vmem>>
        %dma_wait3A_511 = arith.constant 0 : i32
        %dma_wait3A_512 = arith.constant 0 : i32
        %dma_wait3A_513 = tpu.memref_slice %arg3[%add3A_497, %dma_wait3A_511, %dma_wait3A_512] : memref<2560x2x128xi32, #tpu.memory_space<hbm>> -> memref<1x2x128xi32, #tpu.memory_space<hbm>>
        %dma_wait3A_514 = tpu.memref_squeeze %dma_wait3A_513 : memref<1x2x128xi32, #tpu.memory_space<hbm>> -> memref<2x128xi32, #tpu.memory_space<hbm>>
        tpu.wait_dma2 semaphore(%arg16 : memref<!tpu.dma_semaphore, #tpu.memory_space<semaphore_mem>>) src(%dma_wait3A_514 : memref<2x128xi32, #tpu.memory_space<hbm>>) dst(%dma_wait3A_510 : memref<2x128xi32, #tpu.memory_space<vmem>>)
        %ge3A = arith.constant 1 : i32
        %ge3A_515 = arith.cmpi sge, %add3A_410, %ge3A : i32
        %convert_element_type3A_516 = arith.extui %ge3A_515 : i1 to i32
        %cond3A_517 = arith.constant 0 : i32
        %cond3A_518 = arith.cmpi ne, %convert_element_type3A_516, %cond3A_517 : i32
        scf.if %cond3A_518 {
          %dma_wait3A_532 = arith.constant 1 : i32
          %dma_wait3A_533 = arith.constant 5 : i32
          %dma_wait3A_534 = arith.constant 1 : i32
          %dma_wait3A_535 = arith.constant 0 : i32
          %dma_wait3A_536 = arith.constant 0 : i32
          %dma_wait3A_537 = tpu.memref_slice %arg7[%dma_wait3A_532, %dma_wait3A_535, %dma_wait3A_536] : memref<2x128x128xf32, #tpu.memory_space<vmem>> -> memref<1x128x128xf32, #tpu.memory_space<vmem>>
          %dma_wait3A_538 = tpu.memref_squeeze %dma_wait3A_537 : memref<1x128x128xf32, #tpu.memory_space<vmem>> -> memref<128x128xf32, #tpu.memory_space<vmem>>
          %dma_wait3A_539 = arith.constant 0 : i32
          %dma_wait3A_540 = tpu.memref_slice %arg6[%dma_wait3A_533, %dma_wait3A_534, %dma_wait3A_539] : memref<8x2x128xi32, #tpu.memory_space<vmem>> -> memref<1x1x128xi32, #tpu.memory_space<vmem>>
          %dma_wait3A_541 = tpu.memref_squeeze %dma_wait3A_540 : memref<1x1x128xi32, #tpu.memory_space<vmem>> -> memref<128xi32, #tpu.memory_space<vmem>>
          %dma_wait3A_542 = arith.constant 0 : i32
          %dma_wait3A_543 = arith.constant 0 : i32
          %dma_wait3A_544 = tpu.memref_slice %arg8[%dma_wait3A_542, %dma_wait3A_543] : memref<10240x128xf32, #tpu.memory_space<vmem_shared>> -> memref<10240x128xf32, #tpu.memory_space<vmem_shared>>
          tpu.wait_indirect_dma semaphore(%arg20 : memref<!tpu.dma_semaphore, #tpu.memory_space<semaphore_mem>>) src(%dma_wait3A_538 : memref<128x128xf32, #tpu.memory_space<vmem>>) dst(%dma_wait3A_544 : memref<10240x128xf32, #tpu.memory_space<vmem_shared>>)
        } else {
        }
        %dma_start3A_519 = arith.constant 7 : i32
        %dma_start3A_520 = arith.constant 0 : i32
        %dma_start3A_521 = arith.constant 1 : i32
        %dma_start3A_522 = arith.constant 0 : i32
        %dma_start3A_523 = arith.constant 0 : i32
        %dma_start3A_524 = tpu.memref_slice %arg7[%dma_start3A_521, %dma_start3A_522, %dma_start3A_523] : memref<2x128x128xf32, #tpu.memory_space<vmem>> -> memref<1x128x128xf32, #tpu.memory_space<vmem>>
        %dma_start3A_525 = tpu.memref_squeeze %dma_start3A_524 : memref<1x128x128xf32, #tpu.memory_space<vmem>> -> memref<128x128xf32, #tpu.memory_space<vmem>>
        %dma_start3A_526 = arith.constant 0 : i32
        %dma_start3A_527 = tpu.memref_slice %arg6[%dma_start3A_519, %dma_start3A_520, %dma_start3A_526] : memref<8x2x128xi32, #tpu.memory_space<vmem>> -> memref<1x1x128xi32, #tpu.memory_space<vmem>>
        %dma_start3A_528 = tpu.memref_squeeze %dma_start3A_527 : memref<1x1x128xi32, #tpu.memory_space<vmem>> -> memref<128xi32, #tpu.memory_space<vmem>>
        %dma_start3A_529 = arith.constant 0 : i32
        %dma_start3A_530 = arith.constant 0 : i32
        %dma_start3A_531 = tpu.memref_slice %arg2[%dma_start3A_529, %dma_start3A_530] : memref<10240x128xf32, #tpu.memory_space<hbm>> -> memref<10240x128xf32, #tpu.memory_space<hbm>>
        tpu.enqueue_indirect_dma source(%dma_start3A_531 : memref<10240x128xf32, #tpu.memory_space<hbm>>) target(%dma_start3A_525 : memref<128x128xf32, #tpu.memory_space<vmem>>) offsets(%dma_start3A_528 : memref<128xi32, #tpu.memory_space<vmem>>) semaphore(%arg18 : memref<!tpu.dma_semaphore, #tpu.memory_space<semaphore_mem>>)
      } else {
      }
      %mul3A_451 = arith.constant 8 : i32
      %mul3A_452 = arith.muli %scan3A_145, %mul3A_451 : i32
      %add3A_453 = arith.constant 7 : i32
      %add3A_454 = arith.addi %mul3A_452, %add3A_453 : i32
      %dma_wait3A_455 = arith.constant 7 : i32
      %dma_wait3A_456 = arith.constant 0 : i32
      %dma_wait3A_457 = arith.constant 1 : i32
      %dma_wait3A_458 = arith.constant 0 : i32
      %dma_wait3A_459 = arith.constant 0 : i32
      %dma_wait3A_460 = tpu.memref_slice %arg7[%dma_wait3A_457, %dma_wait3A_458, %dma_wait3A_459] : memref<2x128x128xf32, #tpu.memory_space<vmem>> -> memref<1x128x128xf32, #tpu.memory_space<vmem>>
      %dma_wait3A_461 = tpu.memref_squeeze %dma_wait3A_460 : memref<1x128x128xf32, #tpu.memory_space<vmem>> -> memref<128x128xf32, #tpu.memory_space<vmem>>
      %dma_wait3A_462 = arith.constant 0 : i32
      %dma_wait3A_463 = tpu.memref_slice %arg6[%dma_wait3A_455, %dma_wait3A_456, %dma_wait3A_462] : memref<8x2x128xi32, #tpu.memory_space<vmem>> -> memref<1x1x128xi32, #tpu.memory_space<vmem>>
      %dma_wait3A_464 = tpu.memref_squeeze %dma_wait3A_463 : memref<1x1x128xi32, #tpu.memory_space<vmem>> -> memref<128xi32, #tpu.memory_space<vmem>>
      %dma_wait3A_465 = arith.constant 0 : i32
      %dma_wait3A_466 = arith.constant 0 : i32
      %dma_wait3A_467 = tpu.memref_slice %arg2[%dma_wait3A_465, %dma_wait3A_466] : memref<10240x128xf32, #tpu.memory_space<hbm>> -> memref<10240x128xf32, #tpu.memory_space<hbm>>
      tpu.wait_indirect_dma semaphore(%arg18 : memref<!tpu.dma_semaphore, #tpu.memory_space<semaphore_mem>>) src(%dma_wait3A_467 : memref<10240x128xf32, #tpu.memory_space<hbm>>) dst(%dma_wait3A_461 : memref<128x128xf32, #tpu.memory_space<vmem>>)
      %dma_start3A_468 = arith.constant 1 : i32
      %dma_start3A_469 = arith.constant 7 : i32
      %dma_start3A_470 = arith.constant 1 : i32
      %dma_start3A_471 = arith.constant 0 : i32
      %dma_start3A_472 = arith.constant 0 : i32
      %dma_start3A_473 = tpu.memref_slice %arg7[%dma_start3A_468, %dma_start3A_471, %dma_start3A_472] : memref<2x128x128xf32, #tpu.memory_space<vmem>> -> memref<1x128x128xf32, #tpu.memory_space<vmem>>
      %dma_start3A_474 = tpu.memref_squeeze %dma_start3A_473 : memref<1x128x128xf32, #tpu.memory_space<vmem>> -> memref<128x128xf32, #tpu.memory_space<vmem>>
      %dma_start3A_475 = arith.constant 0 : i32
      %dma_start3A_476 = tpu.memref_slice %arg6[%dma_start3A_469, %dma_start3A_470, %dma_start3A_475] : memref<8x2x128xi32, #tpu.memory_space<vmem>> -> memref<1x1x128xi32, #tpu.memory_space<vmem>>
      %dma_start3A_477 = tpu.memref_squeeze %dma_start3A_476 : memref<1x1x128xi32, #tpu.memory_space<vmem>> -> memref<128xi32, #tpu.memory_space<vmem>>
      %dma_start3A_478 = arith.constant 0 : i32
      %dma_start3A_479 = arith.constant 0 : i32
      %dma_start3A_480 = tpu.memref_slice %arg8[%dma_start3A_478, %dma_start3A_479] : memref<10240x128xf32, #tpu.memory_space<vmem_shared>> -> memref<10240x128xf32, #tpu.memory_space<vmem_shared>>
      tpu.enqueue_indirect_dma source(%dma_start3A_474 : memref<128x128xf32, #tpu.memory_space<vmem>>) target(%dma_start3A_480 : memref<10240x128xf32, #tpu.memory_space<vmem_shared>>) offsets(%dma_start3A_477 : memref<128xi32, #tpu.memory_space<vmem>>) semaphore(%arg20 : memref<!tpu.dma_semaphore, #tpu.memory_space<semaphore_mem>>) {add = true}
      %add3A_481 = arith.constant 4 : i32
      %add3A_482 = arith.addi %add3A_454, %add3A_481 : i32
      %lt3A_483 = arith.constant 80 : i32
      %lt3A_484 = arith.cmpi slt, %add3A_482, %lt3A_483 : i32
      %convert_element_type3A_485 = arith.extui %lt3A_484 : i1 to i32
      %cond3A_486 = arith.constant 0 : i32
      %cond3A_487 = arith.cmpi ne, %convert_element_type3A_485, %cond3A_486 : i32
      scf.if %cond3A_487 {
        %add3A_495 = arith.addi %mul3A_2, %add3A_454 : i32
        %add3A_496 = arith.constant 4 : i32
        %add3A_497 = arith.addi %add3A_495, %add3A_496 : i32
        %dma_start3A_498 = arith.constant 3 : i32
        %dma_start3A_499 = arith.constant 0 : i32
        %dma_start3A_500 = arith.constant 0 : i32
        %dma_start3A_501 = tpu.memref_slice %arg6[%dma_start3A_498, %dma_start3A_499, %dma_start3A_500] : memref<8x2x128xi32, #tpu.memory_space<vmem>> -> memref<1x2x128xi32, #tpu.memory_space<vmem>>
        %dma_start3A_502 = tpu.memref_squeeze %dma_start3A_501 : memref<1x2x128xi32, #tpu.memory_space<vmem>> -> memref<2x128xi32, #tpu.memory_space<vmem>>
        %dma_start3A_503 = arith.constant 0 : i32
        %dma_start3A_504 = arith.constant 0 : i32
        %dma_start3A_505 = tpu.memref_slice %arg3[%add3A_497, %dma_start3A_503, %dma_start3A_504] : memref<2560x2x128xi32, #tpu.memory_space<hbm>> -> memref<1x2x128xi32, #tpu.memory_space<hbm>>
        %dma_start3A_506 = tpu.memref_squeeze %dma_start3A_505 : memref<1x2x128xi32, #tpu.memory_space<hbm>> -> memref<2x128xi32, #tpu.memory_space<hbm>>
        %dma_start3A_507 = arith.constant 0 : i32
        %dma_start3A_508 = arith.constant 0 : i32
        %dma_start3A_509 = tpu.memref_slice %arg6[%dma_start3A_498, %dma_start3A_507, %dma_start3A_508] : memref<8x2x128xi32, #tpu.memory_space<vmem>> -> memref<1x2x128xi32, #tpu.memory_space<vmem>>
        %dma_start3A_510 = tpu.memref_squeeze %dma_start3A_509 : memref<1x2x128xi32, #tpu.memory_space<vmem>> -> memref<2x128xi32, #tpu.memory_space<vmem>>
        %dma_start3A_511 = arith.constant 0 : i32
        %dma_start3A_512 = arith.constant 0 : i32
        %dma_start3A_513 = tpu.memref_slice %arg3[%add3A_497, %dma_start3A_511, %dma_start3A_512] : memref<2560x2x128xi32, #tpu.memory_space<hbm>> -> memref<1x2x128xi32, #tpu.memory_space<hbm>>
        %dma_start3A_514 = tpu.memref_squeeze %dma_start3A_513 : memref<1x2x128xi32, #tpu.memory_space<hbm>> -> memref<2x128xi32, #tpu.memory_space<hbm>>
        tpu.enqueue_dma source(%dma_start3A_514 : memref<2x128xi32, #tpu.memory_space<hbm>>) target(%dma_start3A_510 : memref<2x128xi32, #tpu.memory_space<vmem>>) target_semaphore(%arg12 : memref<!tpu.dma_semaphore, #tpu.memory_space<semaphore_mem>>)
      } else {
      }
      %add3A_488 = arith.constant 1 : i32
      %add3A_489 = arith.addi %add3A_454, %add3A_488 : i32
      %lt3A_490 = arith.constant 80 : i32
      %lt3A_491 = arith.cmpi slt, %add3A_489, %lt3A_490 : i32
      %convert_element_type3A_492 = arith.extui %lt3A_491 : i1 to i32
      %cond3A_493 = arith.constant 0 : i32
      %cond3A_494 = arith.cmpi ne, %convert_element_type3A_492, %cond3A_493 : i32
      scf.if %cond3A_494 {
        %add3A_495 = arith.addi %mul3A_2, %add3A_454 : i32
        %add3A_496 = arith.constant 1 : i32
        %add3A_497 = arith.addi %add3A_495, %add3A_496 : i32
        %dma_wait3A_498 = arith.constant 0 : i32
        %dma_wait3A_499 = arith.constant 0 : i32
        %dma_wait3A_500 = arith.constant 0 : i32
        %dma_wait3A_501 = tpu.memref_slice %arg6[%dma_wait3A_498, %dma_wait3A_499, %dma_wait3A_500] : memref<8x2x128xi32, #tpu.memory_space<vmem>> -> memref<1x2x128xi32, #tpu.memory_space<vmem>>
        %dma_wait3A_502 = tpu.memref_squeeze %dma_wait3A_501 : memref<1x2x128xi32, #tpu.memory_space<vmem>> -> memref<2x128xi32, #tpu.memory_space<vmem>>
        %dma_wait3A_503 = arith.constant 0 : i32
        %dma_wait3A_504 = arith.constant 0 : i32
        %dma_wait3A_505 = tpu.memref_slice %arg3[%add3A_497, %dma_wait3A_503, %dma_wait3A_504] : memref<2560x2x128xi32, #tpu.memory_space<hbm>> -> memref<1x2x128xi32, #tpu.memory_space<hbm>>
        %dma_wait3A_506 = tpu.memref_squeeze %dma_wait3A_505 : memref<1x2x128xi32, #tpu.memory_space<hbm>> -> memref<2x128xi32, #tpu.memory_space<hbm>>
        %dma_wait3A_507 = arith.constant 0 : i32
        %dma_wait3A_508 = arith.constant 0 : i32
        %dma_wait3A_509 = tpu.memref_slice %arg6[%dma_wait3A_498, %dma_wait3A_507, %dma_wait3A_508] : memref<8x2x128xi32, #tpu.memory_space<vmem>> -> memref<1x2x128xi32, #tpu.memory_space<vmem>>
        %dma_wait3A_510 = tpu.memref_squeeze %dma_wait3A_509 : memref<1x2x128xi32, #tpu.memory_space<vmem>> -> memref<2x128xi32, #tpu.memory_space<vmem>>
        %dma_wait3A_511 = arith.constant 0 : i32
        %dma_wait3A_512 = arith.constant 0 : i32
        %dma_wait3A_513 = tpu.memref_slice %arg3[%add3A_497, %dma_wait3A_511, %dma_wait3A_512] : memref<2560x2x128xi32, #tpu.memory_space<hbm>> -> memref<1x2x128xi32, #tpu.memory_space<hbm>>
        %dma_wait3A_514 = tpu.memref_squeeze %dma_wait3A_513 : memref<1x2x128xi32, #tpu.memory_space<hbm>> -> memref<2x128xi32, #tpu.memory_space<hbm>>
        tpu.wait_dma2 semaphore(%arg9 : memref<!tpu.dma_semaphore, #tpu.memory_space<semaphore_mem>>) src(%dma_wait3A_514 : memref<2x128xi32, #tpu.memory_space<hbm>>) dst(%dma_wait3A_510 : memref<2x128xi32, #tpu.memory_space<vmem>>)
        %ge3A = arith.constant 1 : i32
        %ge3A_515 = arith.cmpi sge, %add3A_454, %ge3A : i32
        %convert_element_type3A_516 = arith.extui %ge3A_515 : i1 to i32
        %cond3A_517 = arith.constant 0 : i32
        %cond3A_518 = arith.cmpi ne, %convert_element_type3A_516, %cond3A_517 : i32
        scf.if %cond3A_518 {
          %dma_wait3A_532 = arith.constant 0 : i32
          %dma_wait3A_533 = arith.constant 6 : i32
          %dma_wait3A_534 = arith.constant 1 : i32
          %dma_wait3A_535 = arith.constant 0 : i32
          %dma_wait3A_536 = arith.constant 0 : i32
          %dma_wait3A_537 = tpu.memref_slice %arg7[%dma_wait3A_532, %dma_wait3A_535, %dma_wait3A_536] : memref<2x128x128xf32, #tpu.memory_space<vmem>> -> memref<1x128x128xf32, #tpu.memory_space<vmem>>
          %dma_wait3A_538 = tpu.memref_squeeze %dma_wait3A_537 : memref<1x128x128xf32, #tpu.memory_space<vmem>> -> memref<128x128xf32, #tpu.memory_space<vmem>>
          %dma_wait3A_539 = arith.constant 0 : i32
          %dma_wait3A_540 = tpu.memref_slice %arg6[%dma_wait3A_533, %dma_wait3A_534, %dma_wait3A_539] : memref<8x2x128xi32, #tpu.memory_space<vmem>> -> memref<1x1x128xi32, #tpu.memory_space<vmem>>
          %dma_wait3A_541 = tpu.memref_squeeze %dma_wait3A_540 : memref<1x1x128xi32, #tpu.memory_space<vmem>> -> memref<128xi32, #tpu.memory_space<vmem>>
          %dma_wait3A_542 = arith.constant 0 : i32
          %dma_wait3A_543 = arith.constant 0 : i32
          %dma_wait3A_544 = tpu.memref_slice %arg8[%dma_wait3A_542, %dma_wait3A_543] : memref<10240x128xf32, #tpu.memory_space<vmem_shared>> -> memref<10240x128xf32, #tpu.memory_space<vmem_shared>>
          tpu.wait_indirect_dma semaphore(%arg19 : memref<!tpu.dma_semaphore, #tpu.memory_space<semaphore_mem>>) src(%dma_wait3A_538 : memref<128x128xf32, #tpu.memory_space<vmem>>) dst(%dma_wait3A_544 : memref<10240x128xf32, #tpu.memory_space<vmem_shared>>)
        } else {
        }
        %dma_start3A_519 = arith.constant 0 : i32
        %dma_start3A_520 = arith.constant 0 : i32
        %dma_start3A_521 = arith.constant 0 : i32
        %dma_start3A_522 = arith.constant 0 : i32
        %dma_start3A_523 = arith.constant 0 : i32
        %dma_start3A_524 = tpu.memref_slice %arg7[%dma_start3A_521, %dma_start3A_522, %dma_start3A_523] : memref<2x128x128xf32, #tpu.memory_space<vmem>> -> memref<1x128x128xf32, #tpu.memory_space<vmem>>
        %dma_start3A_525 = tpu.memref_squeeze %dma_start3A_524 : memref<1x128x128xf32, #tpu.memory_space<vmem>> -> memref<128x128xf32, #tpu.memory_space<vmem>>
        %dma_start3A_526 = arith.constant 0 : i32
        %dma_start3A_527 = tpu.memref_slice %arg6[%dma_start3A_519, %dma_start3A_520, %dma_start3A_526] : memref<8x2x128xi32, #tpu.memory_space<vmem>> -> memref<1x1x128xi32, #tpu.memory_space<vmem>>
        %dma_start3A_528 = tpu.memref_squeeze %dma_start3A_527 : memref<1x1x128xi32, #tpu.memory_space<vmem>> -> memref<128xi32, #tpu.memory_space<vmem>>
        %dma_start3A_529 = arith.constant 0 : i32
        %dma_start3A_530 = arith.constant 0 : i32
        %dma_start3A_531 = tpu.memref_slice %arg2[%dma_start3A_529, %dma_start3A_530] : memref<10240x128xf32, #tpu.memory_space<hbm>> -> memref<10240x128xf32, #tpu.memory_space<hbm>>
        tpu.enqueue_indirect_dma source(%dma_start3A_531 : memref<10240x128xf32, #tpu.memory_space<hbm>>) target(%dma_start3A_525 : memref<128x128xf32, #tpu.memory_space<vmem>>) offsets(%dma_start3A_528 : memref<128xi32, #tpu.memory_space<vmem>>) semaphore(%arg17 : memref<!tpu.dma_semaphore, #tpu.memory_space<semaphore_mem>>)
      } else {
      }
    }
    %scan3A_115 = arith.constant 10 : i32
    %dma_wait3A_116 = arith.constant 0 : i32
    %dma_wait3A_117 = arith.constant 6 : i32
    %dma_wait3A_118 = arith.constant 1 : i32
    %dma_wait3A_119 = arith.constant 0 : i32
    %dma_wait3A_120 = arith.constant 0 : i32
    %dma_wait3A_121 = tpu.memref_slice %arg7[%dma_wait3A_116, %dma_wait3A_119, %dma_wait3A_120] : memref<2x128x128xf32, #tpu.memory_space<vmem>> -> memref<1x128x128xf32, #tpu.memory_space<vmem>>
    %dma_wait3A_122 = tpu.memref_squeeze %dma_wait3A_121 : memref<1x128x128xf32, #tpu.memory_space<vmem>> -> memref<128x128xf32, #tpu.memory_space<vmem>>
    %dma_wait3A_123 = arith.constant 0 : i32
    %dma_wait3A_124 = tpu.memref_slice %arg6[%dma_wait3A_117, %dma_wait3A_118, %dma_wait3A_123] : memref<8x2x128xi32, #tpu.memory_space<vmem>> -> memref<1x1x128xi32, #tpu.memory_space<vmem>>
    %dma_wait3A_125 = tpu.memref_squeeze %dma_wait3A_124 : memref<1x1x128xi32, #tpu.memory_space<vmem>> -> memref<128xi32, #tpu.memory_space<vmem>>
    %dma_wait3A_126 = arith.constant 0 : i32
    %dma_wait3A_127 = arith.constant 0 : i32
    %dma_wait3A_128 = tpu.memref_slice %arg8[%dma_wait3A_126, %dma_wait3A_127] : memref<10240x128xf32, #tpu.memory_space<vmem_shared>> -> memref<10240x128xf32, #tpu.memory_space<vmem_shared>>
    tpu.wait_indirect_dma semaphore(%arg19 : memref<!tpu.dma_semaphore, #tpu.memory_space<semaphore_mem>>) src(%dma_wait3A_122 : memref<128x128xf32, #tpu.memory_space<vmem>>) dst(%dma_wait3A_128 : memref<10240x128xf32, #tpu.memory_space<vmem_shared>>)
    %dma_wait3A_129 = arith.constant 1 : i32
    %dma_wait3A_130 = arith.constant 7 : i32
    %dma_wait3A_131 = arith.constant 1 : i32
    %dma_wait3A_132 = arith.constant 0 : i32
    %dma_wait3A_133 = arith.constant 0 : i32
    %dma_wait3A_134 = tpu.memref_slice %arg7[%dma_wait3A_129, %dma_wait3A_132, %dma_wait3A_133] : memref<2x128x128xf32, #tpu.memory_space<vmem>> -> memref<1x128x128xf32, #tpu.memory_space<vmem>>
    %dma_wait3A_135 = tpu.memref_squeeze %dma_wait3A_134 : memref<1x128x128xf32, #tpu.memory_space<vmem>> -> memref<128x128xf32, #tpu.memory_space<vmem>>
    %dma_wait3A_136 = arith.constant 0 : i32
    %dma_wait3A_137 = tpu.memref_slice %arg6[%dma_wait3A_130, %dma_wait3A_131, %dma_wait3A_136] : memref<8x2x128xi32, #tpu.memory_space<vmem>> -> memref<1x1x128xi32, #tpu.memory_space<vmem>>
    %dma_wait3A_138 = tpu.memref_squeeze %dma_wait3A_137 : memref<1x1x128xi32, #tpu.memory_space<vmem>> -> memref<128xi32, #tpu.memory_space<vmem>>
    %dma_wait3A_139 = arith.constant 0 : i32
    %dma_wait3A_140 = arith.constant 0 : i32
    %dma_wait3A_141 = tpu.memref_slice %arg8[%dma_wait3A_139, %dma_wait3A_140] : memref<10240x128xf32, #tpu.memory_space<vmem_shared>> -> memref<10240x128xf32, #tpu.memory_space<vmem_shared>>
    tpu.wait_indirect_dma semaphore(%arg20 : memref<!tpu.dma_semaphore, #tpu.memory_space<semaphore_mem>>) src(%dma_wait3A_135 : memref<128x128xf32, #tpu.memory_space<vmem>>) dst(%dma_wait3A_141 : memref<10240x128xf32, #tpu.memory_space<vmem_shared>>)
    %barrier3A_142 = arith.constant 0 : index
    tpu.barrier barrier_id(%barrier3A_142)
    %mul3A_143 = arith.constant 640 : i32
    %mul3A_144 = arith.muli %arg1, %mul3A_143 : i32
    "tpu.region"() ({
      %run_scoped3A = tpu.sem_alloc : memref<!tpu.dma_semaphore, #tpu.memory_space<semaphore_mem>>
      %dma_start3A_145 = arith.constant 0 : i32
      %dma_start3A_146 = tpu.memref_slice %arg5[%arg0, %mul3A_144, %dma_start3A_145] : memref<2x10240x128xf32, #tpu.memory_space<hbm>> -> memref<1x640x128xf32, #tpu.memory_space<hbm>>
      %dma_start3A_147 = tpu.memref_squeeze %dma_start3A_146 : memref<1x640x128xf32, #tpu.memory_space<hbm>> -> memref<640x128xf32, #tpu.memory_space<hbm>>
      %dma_start3A_148 = arith.constant 0 : i32
      %dma_start3A_149 = tpu.memref_slice %arg8[%mul3A_144, %dma_start3A_148] : memref<10240x128xf32, #tpu.memory_space<vmem_shared>> -> memref<640x128xf32, #tpu.memory_space<vmem_shared>>
      tpu.enqueue_dma source(%dma_start3A_149 : memref<640x128xf32, #tpu.memory_space<vmem_shared>>) target(%dma_start3A_147 : memref<640x128xf32, #tpu.memory_space<hbm>>) target_semaphore(%run_scoped3A : memref<!tpu.dma_semaphore, #tpu.memory_space<semaphore_mem>>)
      %dma_wait3A_150 = arith.constant 0 : i32
      %dma_wait3A_151 = tpu.memref_slice %arg5[%arg0, %mul3A_144, %dma_wait3A_150] : memref<2x10240x128xf32, #tpu.memory_space<hbm>> -> memref<1x640x128xf32, #tpu.memory_space<hbm>>
      %dma_wait3A_152 = tpu.memref_squeeze %dma_wait3A_151 : memref<1x640x128xf32, #tpu.memory_space<hbm>> -> memref<640x128xf32, #tpu.memory_space<hbm>>
      %dma_wait3A_153 = arith.constant 0 : i32
      %dma_wait3A_154 = tpu.memref_slice %arg8[%mul3A_144, %dma_wait3A_153] : memref<10240x128xf32, #tpu.memory_space<vmem_shared>> -> memref<640x128xf32, #tpu.memory_space<vmem_shared>>
      tpu.wait_dma2 semaphore(%run_scoped3A : memref<!tpu.dma_semaphore, #tpu.memory_space<semaphore_mem>>) src(%dma_wait3A_154 : memref<640x128xf32, #tpu.memory_space<vmem_shared>>) dst(%dma_wait3A_152 : memref<640x128xf32, #tpu.memory_space<hbm>>)
      tpu.yield
    }) : () -> ()
    return
  }
}

module attributes {stable_mosaic.version = 14 : i64} {
  func.func @body(%arg0: i32, %arg1: memref<2x256x128xf32, #tpu.memory_space<vmem>>, %arg2: memref<256x128xf32, #tpu.memory_space<vmem>>, %arg3: memref<256x128xf32, #tpu.memory_space<vmem>>, %arg4: memref<256x128xf32, #tpu.memory_space<vmem>>) attributes {dimension_semantics = [#tpu.dimension_semantics<arbitrary>], iteration_bounds = array<i64: 40>, scalar_prefetch = 0 : i64, scratch_operands = 0 : i64, tpu.core_type = #tpu.core_type<tc>, window_params = [{transform_indices = @transform_0, window_bounds = array<i64: 2, 256, 128>}, {transform_indices = @transform_1, window_bounds = array<i64: 256, 128>}, {transform_indices = @transform_2, window_bounds = array<i64: 256, 128>}, {transform_indices = @transform_3, window_bounds = array<i64: 256, 128>}]} {
    %get3A = arith.constant 0 : index
    %get3A_0 = arith.constant 0 : index
    %get3A_1 = arith.constant 0 : index
    %get3A_2 = vector.load %arg1[%get3A, %get3A_0, %get3A_1] : memref<2x256x128xf32, #tpu.memory_space<vmem>>, vector<1x256x1xf32>
    %get3A_3 = vector.shape_cast %get3A_2 : vector<1x256x1xf32> to vector<256x1xf32>
    %get3A_4 = arith.constant 1 : index
    %get3A_5 = arith.constant 0 : index
    %get3A_6 = arith.constant 0 : index
    %get3A_7 = vector.load %arg1[%get3A_4, %get3A_5, %get3A_6] : memref<2x256x128xf32, #tpu.memory_space<vmem>>, vector<1x256x1xf32>
    %get3A_8 = vector.shape_cast %get3A_7 : vector<1x256x1xf32> to vector<256x1xf32>
    %add3A = arith.addf %get3A_3, %get3A_8 : vector<256x1xf32>
    %gt3A = arith.constant 0.000000e+00 : f32
    %gt3A_9 = vector.broadcast %gt3A : f32 to vector<256x1xf32>
    %gt3A_10 = arith.cmpf ogt, %add3A, %gt3A_9 : vector<256x1xf32>
    %max3A = arith.constant 9.99999996E-13 : f32
    %max3A_11 = vector.broadcast %max3A : f32 to vector<256x1xf32>
    %max3A_12 = arith.maximumf %add3A, %max3A_11 : vector<256x1xf32>
    %rsqrt3A = math.rsqrt %max3A_12 : vector<256x1xf32>
    %jit3A = arith.constant 0.000000e+00 : f32
    %broadcast_in_dim3A = vector.broadcast %jit3A : f32 to vector<256x1xf32>
    %select_n3A = arith.select %gt3A_10, %rsqrt3A, %broadcast_in_dim3A : vector<256x1xi1>, vector<256x1xf32>
    %broadcast_in_dim3A_13 = vector.shape_cast %select_n3A : vector<256x1xf32> to vector<256x1xf32>
    %broadcast_in_dim3A_14 = vector.broadcast %broadcast_in_dim3A_13 : vector<256x1xf32> to vector<256x128xf32>
    %swap3A = arith.constant 0 : index
    %swap3A_15 = arith.constant 0 : index
    %swap3A_16 = vector.load %arg4[%swap3A, %swap3A_15] : memref<256x128xf32, #tpu.memory_space<vmem>>, vector<256x128xf32>
    tpu.vector_store %arg4[%swap3A, %swap3A_15], %broadcast_in_dim3A_14 {strides = array<i32>} : memref<256x128xf32, #tpu.memory_space<vmem>>, vector<256x128xf32>,
    %get3A_17 = arith.constant 0 : index
    %get3A_18 = arith.constant 0 : index
    %get3A_19 = vector.load %arg2[%get3A_17, %get3A_18] : memref<256x128xf32, #tpu.memory_space<vmem>>, vector<256x128xf32>
    %mul3A = arith.mulf %get3A_19, %broadcast_in_dim3A_14 : vector<256x128xf32>
    %swap3A_20 = arith.constant 0 : index
    %swap3A_21 = arith.constant 0 : index
    %swap3A_22 = vector.load %arg3[%swap3A_20, %swap3A_21] : memref<256x128xf32, #tpu.memory_space<vmem>>, vector<256x128xf32>
    tpu.vector_store %arg3[%swap3A_20, %swap3A_21], %mul3A {strides = array<i32>} : memref<256x128xf32, #tpu.memory_space<vmem>>, vector<256x128xf32>,
    return
  }
  func.func @transform_0(%arg0: i32) -> (i32, i32, i32) {
    %c0_i32 = arith.constant 0 : i32
    %c0_i32_0 = arith.constant 0 : i32
    %c0_i32_1 = arith.constant 0 : i32
    return %c0_i32, %arg0, %c0_i32_0 : i32, i32, i32
  }
  func.func @transform_1(%arg0: i32) -> (i32, i32) {
    %c0_i32 = arith.constant 0 : i32
    %c0_i32_0 = arith.constant 0 : i32
    return %arg0, %c0_i32 : i32, i32
  }
  func.func @transform_2(%arg0: i32) -> (i32, i32) {
    %c0_i32 = arith.constant 0 : i32
    %c0_i32_0 = arith.constant 0 : i32
    return %arg0, %c0_i32 : i32, i32
  }
  func.func @transform_3(%arg0: i32) -> (i32, i32) {
    %c0_i32 = arith.constant 0 : i32
    %c0_i32_0 = arith.constant 0 : i32
    return %arg0, %c0_i32 : i32, i32
  }
}

module attributes {stable_mosaic.version = 14 : i64} {
  func.func @body(%arg0: i32, %arg1: memref<2x256x128xf32, #tpu.memory_space<vmem>>, %arg2: memref<256x128xf32, #tpu.memory_space<vmem>>, %arg3: memref<256x128xf32, #tpu.memory_space<vmem>>) attributes {dimension_semantics = [#tpu.dimension_semantics<arbitrary>], iteration_bounds = array<i64: 40>, scalar_prefetch = 0 : i64, scratch_operands = 0 : i64, tpu.core_type = #tpu.core_type<tc>, window_params = [{transform_indices = @transform_0, window_bounds = array<i64: 2, 256, 128>}, {transform_indices = @transform_1, window_bounds = array<i64: 256, 128>}, {transform_indices = @transform_2, window_bounds = array<i64: 256, 128>}]} {
    %get3A = arith.constant 0 : index
    %get3A_0 = arith.constant 0 : index
    %get3A_1 = vector.load %arg2[%get3A, %get3A_0] : memref<256x128xf32, #tpu.memory_space<vmem>>, vector<256x128xf32>
    %get3A_2 = arith.constant 0 : index
    %get3A_3 = arith.constant 0 : index
    %get3A_4 = arith.constant 0 : index
    %get3A_5 = vector.load %arg1[%get3A_2, %get3A_3, %get3A_4] : memref<2x256x128xf32, #tpu.memory_space<vmem>>, vector<1x256x128xf32>
    %get3A_6 = vector.shape_cast %get3A_5 : vector<1x256x128xf32> to vector<256x128xf32>
    %get3A_7 = arith.constant 1 : index
    %get3A_8 = arith.constant 0 : index
    %get3A_9 = arith.constant 0 : index
    %get3A_10 = vector.load %arg1[%get3A_7, %get3A_8, %get3A_9] : memref<2x256x128xf32, #tpu.memory_space<vmem>>, vector<1x256x128xf32>
    %get3A_11 = vector.shape_cast %get3A_10 : vector<1x256x128xf32> to vector<256x128xf32>
    %add3A = arith.addf %get3A_6, %get3A_11 : vector<256x128xf32>
    %mul3A = arith.mulf %add3A, %get3A_1 : vector<256x128xf32>
    %mul3A_12 = arith.mulf %mul3A, %get3A_1 : vector<256x128xf32>
    %swap3A = arith.constant 0 : index
    %swap3A_13 = arith.constant 0 : index
    %swap3A_14 = vector.load %arg3[%swap3A, %swap3A_13] : memref<256x128xf32, #tpu.memory_space<vmem>>, vector<256x128xf32>
    tpu.vector_store %arg3[%swap3A, %swap3A_13], %mul3A_12 {strides = array<i32>} : memref<256x128xf32, #tpu.memory_space<vmem>>, vector<256x128xf32>,
    return
  }
  func.func @transform_0(%arg0: i32) -> (i32, i32, i32) {
    %c0_i32 = arith.constant 0 : i32
    %c0_i32_0 = arith.constant 0 : i32
    %c0_i32_1 = arith.constant 0 : i32
    return %c0_i32, %arg0, %c0_i32_0 : i32, i32, i32
  }
  func.func @transform_1(%arg0: i32) -> (i32, i32) {
    %c0_i32 = arith.constant 0 : i32
    %c0_i32_0 = arith.constant 0 : i32
    return %arg0, %c0_i32 : i32, i32
  }
  func.func @transform_2(%arg0: i32) -> (i32, i32) {
    %c0_i32 = arith.constant 0 : i32
    %c0_i32_0 = arith.constant 0 : i32
    return %arg0, %c0_i32 : i32, i32
  }
}

module attributes {stable_mosaic.version = 14 : i64} {
  func.func @body(%arg0: i32, %arg1: memref<256x128xf32, #tpu.memory_space<vmem>>, %arg2: memref<2x256x128xf32, #tpu.memory_space<vmem>>, %arg3: memref<2x256x128xf32, #tpu.memory_space<vmem>>, %arg4: memref<256x128xf32, #tpu.memory_space<vmem>>, %arg5: memref<3x128x128xf32, #tpu.memory_space<vmem>>, %arg6: memref<1x128xf32, #tpu.memory_space<vmem>>, %arg7: memref<256x128xf32, #tpu.memory_space<vmem>>, %arg8: memref<256x128xf32, #tpu.memory_space<vmem>>) attributes {dimension_semantics = [#tpu.dimension_semantics<arbitrary>], iteration_bounds = array<i64: 40>, scalar_prefetch = 0 : i64, scratch_operands = 0 : i64, tpu.core_type = #tpu.core_type<tc>, window_params = [{transform_indices = @transform_0, window_bounds = array<i64: 256, 128>}, {transform_indices = @transform_1, window_bounds = array<i64: 2, 256, 128>}, {transform_indices = @transform_2, window_bounds = array<i64: 2, 256, 128>}, {transform_indices = @transform_3, window_bounds = array<i64: 256, 128>}, {pipeline_mode = #tpu.pipeline_mode<synchronous>, transform_indices = @transform_4, window_bounds = array<i64: 3, 128, 128>}, {pipeline_mode = #tpu.pipeline_mode<synchronous>, transform_indices = @transform_5, window_bounds = array<i64: 1, 128>}, {transform_indices = @transform_6, window_bounds = array<i64: 256, 128>}, {transform_indices = @transform_7, window_bounds = array<i64: 256, 128>}]} {
    %get3A = arith.constant 0 : index
    %get3A_0 = arith.constant 0 : index
    %get3A_1 = vector.load %arg4[%get3A, %get3A_0] : memref<256x128xf32, #tpu.memory_space<vmem>>, vector<256x128xf32>
    %get3A_2 = arith.constant 0 : index
    %get3A_3 = arith.constant 0 : index
    %get3A_4 = vector.load %arg1[%get3A_2, %get3A_3] : memref<256x128xf32, #tpu.memory_space<vmem>>, vector<256x128xf32>
    %get3A_5 = arith.constant 0 : index
    %get3A_6 = arith.constant 0 : index
    %get3A_7 = arith.constant 0 : index
    %get3A_8 = vector.load %arg2[%get3A_5, %get3A_6, %get3A_7] : memref<2x256x128xf32, #tpu.memory_space<vmem>>, vector<1x256x128xf32>
    %get3A_9 = vector.shape_cast %get3A_8 : vector<1x256x128xf32> to vector<256x128xf32>
    %get3A_10 = arith.constant 1 : index
    %get3A_11 = arith.constant 0 : index
    %get3A_12 = arith.constant 0 : index
    %get3A_13 = vector.load %arg2[%get3A_10, %get3A_11, %get3A_12] : memref<2x256x128xf32, #tpu.memory_space<vmem>>, vector<1x256x128xf32>
    %get3A_14 = vector.shape_cast %get3A_13 : vector<1x256x128xf32> to vector<256x128xf32>
    %add3A = arith.addf %get3A_9, %get3A_14 : vector<256x128xf32>
    %mul3A = arith.mulf %get3A_1, %add3A : vector<256x128xf32>
    %neg3A = arith.constant 0.000000e+00 : f32
    %neg3A_15 = vector.broadcast %neg3A : f32 to vector<256x128xf32>
    %neg3A_16 = arith.subf %neg3A_15, %mul3A : vector<256x128xf32>
    %get3A_17 = arith.constant 0 : index
    %get3A_18 = arith.constant 0 : index
    %get3A_19 = arith.constant 0 : index
    %get3A_20 = vector.load %arg3[%get3A_17, %get3A_18, %get3A_19] : memref<2x256x128xf32, #tpu.memory_space<vmem>>, vector<1x256x128xf32>
    %get3A_21 = vector.shape_cast %get3A_20 : vector<1x256x128xf32> to vector<256x128xf32>
    %get3A_22 = arith.constant 1 : index
    %get3A_23 = arith.constant 0 : index
    %get3A_24 = arith.constant 0 : index
    %get3A_25 = vector.load %arg3[%get3A_22, %get3A_23, %get3A_24] : memref<2x256x128xf32, #tpu.memory_space<vmem>>, vector<1x256x128xf32>
    %get3A_26 = vector.shape_cast %get3A_25 : vector<1x256x128xf32> to vector<256x128xf32>
    %add3A_27 = arith.addf %get3A_21, %get3A_26 : vector<256x128xf32>
    %mul3A_28 = arith.mulf %get3A_1, %add3A_27 : vector<256x128xf32>
    %mul3A_29 = arith.constant 2.000000e+00 : f32
    %mul3A_30 = vector.broadcast %mul3A_29 : f32 to vector<256x128xf32>
    %mul3A_31 = arith.mulf %mul3A_30, %mul3A_28 : vector<256x128xf32>
    %sub3A = arith.subf %mul3A_31, %get3A_4 : vector<256x128xf32>
    %get3A_32 = arith.constant 0 : index
    %get3A_33 = arith.constant 0 : index
    %get3A_34 = arith.constant 0 : index
    %get3A_35 = vector.load %arg5[%get3A_32, %get3A_33, %get3A_34] : memref<3x128x128xf32, #tpu.memory_space<vmem>>, vector<1x128x128xf32>
    %get3A_36 = vector.shape_cast %get3A_35 : vector<1x128x128xf32> to vector<128x128xf32>
    %dot_general3A = arith.constant dense<0.000000e+00> : vector<256x128xf32>
    %dot_general3A_37 = tpu.matmul %get3A_4, %get3A_36, %dot_general3A {dimension_numbers = #tpu.dot_dimension_numbers<[1], [0], [0], [1], [0, 0, 1, 1], [], []>, precision = #tpu.contract_precision<fp32>, transpose_lhs_hint = false} : vector<256x128xf32>, vector<128x128xf32>, vector<256x128xf32> -> vector<256x128xf32>
    %get3A_38 = arith.constant 1 : index
    %get3A_39 = arith.constant 0 : index
    %get3A_40 = arith.constant 0 : index
    %get3A_41 = vector.load %arg5[%get3A_38, %get3A_39, %get3A_40] : memref<3x128x128xf32, #tpu.memory_space<vmem>>, vector<1x128x128xf32>
    %get3A_42 = vector.shape_cast %get3A_41 : vector<1x128x128xf32> to vector<128x128xf32>
    %dot_general3A_43 = arith.constant dense<0.000000e+00> : vector<256x128xf32>
    %dot_general3A_44 = tpu.matmul %neg3A_16, %get3A_42, %dot_general3A_43 {dimension_numbers = #tpu.dot_dimension_numbers<[1], [0], [0], [1], [0, 0, 1, 1], [], []>, precision = #tpu.contract_precision<fp32>, transpose_lhs_hint = false} : vector<256x128xf32>, vector<128x128xf32>, vector<256x128xf32> -> vector<256x128xf32>
    %add3A_45 = arith.addf %dot_general3A_37, %dot_general3A_44 : vector<256x128xf32>
    %get3A_46 = arith.constant 2 : index
    %get3A_47 = arith.constant 0 : index
    %get3A_48 = arith.constant 0 : index
    %get3A_49 = vector.load %arg5[%get3A_46, %get3A_47, %get3A_48] : memref<3x128x128xf32, #tpu.memory_space<vmem>>, vector<1x128x128xf32>
    %get3A_50 = vector.shape_cast %get3A_49 : vector<1x128x128xf32> to vector<128x128xf32>
    %dot_general3A_51 = arith.constant dense<0.000000e+00> : vector<256x128xf32>
    %dot_general3A_52 = tpu.matmul %sub3A, %get3A_50, %dot_general3A_51 {dimension_numbers = #tpu.dot_dimension_numbers<[1], [0], [0], [1], [0, 0, 1, 1], [], []>, precision = #tpu.contract_precision<fp32>, transpose_lhs_hint = false} : vector<256x128xf32>, vector<128x128xf32>, vector<256x128xf32> -> vector<256x128xf32>
    %add3A_53 = arith.addf %add3A_45, %dot_general3A_52 : vector<256x128xf32>
    %get3A_54 = arith.constant 0 : index
    %get3A_55 = arith.constant 0 : index
    %get3A_56 = vector.load %arg6[%get3A_54, %get3A_55] : memref<1x128xf32, #tpu.memory_space<vmem>>, vector<1x128xf32>
    %add3A_57 = vector.broadcast %get3A_56 : vector<1x128xf32> to vector<256x128xf32>
    %add3A_58 = arith.addf %add3A_53, %add3A_57 : vector<256x128xf32>
    %max3A = arith.constant 0.000000e+00 : f32
    %max3A_59 = vector.broadcast %max3A : f32 to vector<256x128xf32>
    %max3A_60 = arith.maximumf %add3A_58, %max3A_59 : vector<256x128xf32>
    %swap3A = arith.constant 0 : index
    %swap3A_61 = arith.constant 0 : index
    %swap3A_62 = vector.load %arg7[%swap3A, %swap3A_61] : memref<256x128xf32, #tpu.memory_space<vmem>>, vector<256x128xf32>
    tpu.vector_store %arg7[%swap3A, %swap3A_61], %max3A_60 {strides = array<i32>} : memref<256x128xf32, #tpu.memory_space<vmem>>, vector<256x128xf32>,
    %mul3A_63 = arith.mulf %max3A_60, %get3A_1 : vector<256x128xf32>
    %swap3A_64 = arith.constant 0 : index
    %swap3A_65 = arith.constant 0 : index
    %swap3A_66 = vector.load %arg8[%swap3A_64, %swap3A_65] : memref<256x128xf32, #tpu.memory_space<vmem>>, vector<256x128xf32>
    tpu.vector_store %arg8[%swap3A_64, %swap3A_65], %mul3A_63 {strides = array<i32>} : memref<256x128xf32, #tpu.memory_space<vmem>>, vector<256x128xf32>,
    return
  }
  func.func @transform_0(%arg0: i32) -> (i32, i32) {
    %c0_i32 = arith.constant 0 : i32
    %c0_i32_0 = arith.constant 0 : i32
    return %arg0, %c0_i32 : i32, i32
  }
  func.func @transform_1(%arg0: i32) -> (i32, i32, i32) {
    %c0_i32 = arith.constant 0 : i32
    %c0_i32_0 = arith.constant 0 : i32
    %c0_i32_1 = arith.constant 0 : i32
    return %c0_i32, %arg0, %c0_i32_0 : i32, i32, i32
  }
  func.func @transform_2(%arg0: i32) -> (i32, i32, i32) {
    %c0_i32 = arith.constant 0 : i32
    %c0_i32_0 = arith.constant 0 : i32
    %c0_i32_1 = arith.constant 0 : i32
    return %c0_i32, %arg0, %c0_i32_0 : i32, i32, i32
  }
  func.func @transform_3(%arg0: i32) -> (i32, i32) {
    %c0_i32 = arith.constant 0 : i32
    %c0_i32_0 = arith.constant 0 : i32
    return %arg0, %c0_i32 : i32, i32
  }
  func.func @transform_4(%arg0: i32) -> (i32, i32, i32) {
    %c0_i32 = arith.constant 0 : i32
    %c0_i32_0 = arith.constant 0 : i32
    %c0_i32_1 = arith.constant 0 : i32
    %c0_i32_2 = arith.constant 0 : i32
    return %c0_i32, %c0_i32_0, %c0_i32_1 : i32, i32, i32
  }
  func.func @transform_5(%arg0: i32) -> (i32, i32) {
    %c0_i32 = arith.constant 0 : i32
    %c0_i32_0 = arith.constant 0 : i32
    %c0_i32_1 = arith.constant 0 : i32
    return %c0_i32, %c0_i32_0 : i32, i32
  }
  func.func @transform_6(%arg0: i32) -> (i32, i32) {
    %c0_i32 = arith.constant 0 : i32
    %c0_i32_0 = arith.constant 0 : i32
    return %arg0, %c0_i32 : i32, i32
  }
  func.func @transform_7(%arg0: i32) -> (i32, i32) {
    %c0_i32 = arith.constant 0 : i32
    %c0_i32_0 = arith.constant 0 : i32
    return %arg0, %c0_i32 : i32, i32
  }
}

module attributes {stable_mosaic.version = 14 : i64} {
  func.func @body(%arg0: i32, %arg1: memref<256x128xf32, #tpu.memory_space<vmem>>, %arg2: memref<2x256x128xf32, #tpu.memory_space<vmem>>, %arg3: memref<2x256x128xf32, #tpu.memory_space<vmem>>, %arg4: memref<256x128xf32, #tpu.memory_space<vmem>>, %arg5: memref<3x128x64xf32, #tpu.memory_space<vmem>>, %arg6: memref<1x64xf32, #tpu.memory_space<vmem>>, %arg7: memref<256x64xf32, #tpu.memory_space<vmem>>) attributes {dimension_semantics = [#tpu.dimension_semantics<arbitrary>], iteration_bounds = array<i64: 40>, scalar_prefetch = 0 : i64, scratch_operands = 0 : i64, tpu.core_type = #tpu.core_type<tc>, window_params = [{transform_indices = @transform_0, window_bounds = array<i64: 256, 128>}, {transform_indices = @transform_1, window_bounds = array<i64: 2, 256, 128>}, {transform_indices = @transform_2, window_bounds = array<i64: 2, 256, 128>}, {transform_indices = @transform_3, window_bounds = array<i64: 256, 128>}, {pipeline_mode = #tpu.pipeline_mode<synchronous>, transform_indices = @transform_4, window_bounds = array<i64: 3, 128, 64>}, {pipeline_mode = #tpu.pipeline_mode<synchronous>, transform_indices = @transform_5, window_bounds = array<i64: 1, 64>}, {transform_indices = @transform_6, window_bounds = array<i64: 256, 64>}]} {
    %get3A = arith.constant 0 : index
    %get3A_0 = arith.constant 0 : index
    %get3A_1 = vector.load %arg4[%get3A, %get3A_0] : memref<256x128xf32, #tpu.memory_space<vmem>>, vector<256x128xf32>
    %get3A_2 = arith.constant 0 : index
    %get3A_3 = arith.constant 0 : index
    %get3A_4 = vector.load %arg1[%get3A_2, %get3A_3] : memref<256x128xf32, #tpu.memory_space<vmem>>, vector<256x128xf32>
    %get3A_5 = arith.constant 0 : index
    %get3A_6 = arith.constant 0 : index
    %get3A_7 = arith.constant 0 : index
    %get3A_8 = vector.load %arg2[%get3A_5, %get3A_6, %get3A_7] : memref<2x256x128xf32, #tpu.memory_space<vmem>>, vector<1x256x128xf32>
    %get3A_9 = vector.shape_cast %get3A_8 : vector<1x256x128xf32> to vector<256x128xf32>
    %get3A_10 = arith.constant 1 : index
    %get3A_11 = arith.constant 0 : index
    %get3A_12 = arith.constant 0 : index
    %get3A_13 = vector.load %arg2[%get3A_10, %get3A_11, %get3A_12] : memref<2x256x128xf32, #tpu.memory_space<vmem>>, vector<1x256x128xf32>
    %get3A_14 = vector.shape_cast %get3A_13 : vector<1x256x128xf32> to vector<256x128xf32>
    %add3A = arith.addf %get3A_9, %get3A_14 : vector<256x128xf32>
    %mul3A = arith.mulf %get3A_1, %add3A : vector<256x128xf32>
    %neg3A = arith.constant 0.000000e+00 : f32
    %neg3A_15 = vector.broadcast %neg3A : f32 to vector<256x128xf32>
    %neg3A_16 = arith.subf %neg3A_15, %mul3A : vector<256x128xf32>
    %get3A_17 = arith.constant 0 : index
    %get3A_18 = arith.constant 0 : index
    %get3A_19 = arith.constant 0 : index
    %get3A_20 = vector.load %arg3[%get3A_17, %get3A_18, %get3A_19] : memref<2x256x128xf32, #tpu.memory_space<vmem>>, vector<1x256x128xf32>
    %get3A_21 = vector.shape_cast %get3A_20 : vector<1x256x128xf32> to vector<256x128xf32>
    %get3A_22 = arith.constant 1 : index
    %get3A_23 = arith.constant 0 : index
    %get3A_24 = arith.constant 0 : index
    %get3A_25 = vector.load %arg3[%get3A_22, %get3A_23, %get3A_24] : memref<2x256x128xf32, #tpu.memory_space<vmem>>, vector<1x256x128xf32>
    %get3A_26 = vector.shape_cast %get3A_25 : vector<1x256x128xf32> to vector<256x128xf32>
    %add3A_27 = arith.addf %get3A_21, %get3A_26 : vector<256x128xf32>
    %mul3A_28 = arith.mulf %get3A_1, %add3A_27 : vector<256x128xf32>
    %mul3A_29 = arith.constant 2.000000e+00 : f32
    %mul3A_30 = vector.broadcast %mul3A_29 : f32 to vector<256x128xf32>
    %mul3A_31 = arith.mulf %mul3A_30, %mul3A_28 : vector<256x128xf32>
    %sub3A = arith.subf %mul3A_31, %get3A_4 : vector<256x128xf32>
    %get3A_32 = arith.constant 0 : index
    %get3A_33 = arith.constant 0 : index
    %get3A_34 = arith.constant 0 : index
    %get3A_35 = vector.load %arg5[%get3A_32, %get3A_33, %get3A_34] : memref<3x128x64xf32, #tpu.memory_space<vmem>>, vector<1x128x64xf32>
    %get3A_36 = vector.shape_cast %get3A_35 : vector<1x128x64xf32> to vector<128x64xf32>
    %dot_general3A = arith.constant dense<0.000000e+00> : vector<256x64xf32>
    %dot_general3A_37 = tpu.matmul %get3A_4, %get3A_36, %dot_general3A {dimension_numbers = #tpu.dot_dimension_numbers<[1], [0], [0], [1], [0, 0, 1, 1], [], []>, precision = #tpu.contract_precision<fp32>, transpose_lhs_hint = false} : vector<256x128xf32>, vector<128x64xf32>, vector<256x64xf32> -> vector<256x64xf32>
    %get3A_38 = arith.constant 1 : index
    %get3A_39 = arith.constant 0 : index
    %get3A_40 = arith.constant 0 : index
    %get3A_41 = vector.load %arg5[%get3A_38, %get3A_39, %get3A_40] : memref<3x128x64xf32, #tpu.memory_space<vmem>>, vector<1x128x64xf32>
    %get3A_42 = vector.shape_cast %get3A_41 : vector<1x128x64xf32> to vector<128x64xf32>
    %dot_general3A_43 = arith.constant dense<0.000000e+00> : vector<256x64xf32>
    %dot_general3A_44 = tpu.matmul %neg3A_16, %get3A_42, %dot_general3A_43 {dimension_numbers = #tpu.dot_dimension_numbers<[1], [0], [0], [1], [0, 0, 1, 1], [], []>, precision = #tpu.contract_precision<fp32>, transpose_lhs_hint = false} : vector<256x128xf32>, vector<128x64xf32>, vector<256x64xf32> -> vector<256x64xf32>
    %add3A_45 = arith.addf %dot_general3A_37, %dot_general3A_44 : vector<256x64xf32>
    %get3A_46 = arith.constant 2 : index
    %get3A_47 = arith.constant 0 : index
    %get3A_48 = arith.constant 0 : index
    %get3A_49 = vector.load %arg5[%get3A_46, %get3A_47, %get3A_48] : memref<3x128x64xf32, #tpu.memory_space<vmem>>, vector<1x128x64xf32>
    %get3A_50 = vector.shape_cast %get3A_49 : vector<1x128x64xf32> to vector<128x64xf32>
    %dot_general3A_51 = arith.constant dense<0.000000e+00> : vector<256x64xf32>
    %dot_general3A_52 = tpu.matmul %sub3A, %get3A_50, %dot_general3A_51 {dimension_numbers = #tpu.dot_dimension_numbers<[1], [0], [0], [1], [0, 0, 1, 1], [], []>, precision = #tpu.contract_precision<fp32>, transpose_lhs_hint = false} : vector<256x128xf32>, vector<128x64xf32>, vector<256x64xf32> -> vector<256x64xf32>
    %add3A_53 = arith.addf %add3A_45, %dot_general3A_52 : vector<256x64xf32>
    %get3A_54 = arith.constant 0 : index
    %get3A_55 = arith.constant 0 : index
    %get3A_56 = vector.load %arg6[%get3A_54, %get3A_55] : memref<1x64xf32, #tpu.memory_space<vmem>>, vector<1x64xf32>
    %add3A_57 = vector.broadcast %get3A_56 : vector<1x64xf32> to vector<256x64xf32>
    %add3A_58 = arith.addf %add3A_53, %add3A_57 : vector<256x64xf32>
    %swap3A = arith.constant 0 : index
    %swap3A_59 = arith.constant 0 : index
    %swap3A_60 = vector.load %arg7[%swap3A, %swap3A_59] : memref<256x64xf32, #tpu.memory_space<vmem>>, vector<256x64xf32>
    tpu.vector_store %arg7[%swap3A, %swap3A_59], %add3A_58 {strides = array<i32>} : memref<256x64xf32, #tpu.memory_space<vmem>>, vector<256x64xf32>,
    return
  }
  func.func @transform_0(%arg0: i32) -> (i32, i32) {
    %c0_i32 = arith.constant 0 : i32
    %c0_i32_0 = arith.constant 0 : i32
    return %arg0, %c0_i32 : i32, i32
  }
  func.func @transform_1(%arg0: i32) -> (i32, i32, i32) {
    %c0_i32 = arith.constant 0 : i32
    %c0_i32_0 = arith.constant 0 : i32
    %c0_i32_1 = arith.constant 0 : i32
    return %c0_i32, %arg0, %c0_i32_0 : i32, i32, i32
  }
  func.func @transform_2(%arg0: i32) -> (i32, i32, i32) {
    %c0_i32 = arith.constant 0 : i32
    %c0_i32_0 = arith.constant 0 : i32
    %c0_i32_1 = arith.constant 0 : i32
    return %c0_i32, %arg0, %c0_i32_0 : i32, i32, i32
  }
  func.func @transform_3(%arg0: i32) -> (i32, i32) {
    %c0_i32 = arith.constant 0 : i32
    %c0_i32_0 = arith.constant 0 : i32
    return %arg0, %c0_i32 : i32, i32
  }
  func.func @transform_4(%arg0: i32) -> (i32, i32, i32) {
    %c0_i32 = arith.constant 0 : i32
    %c0_i32_0 = arith.constant 0 : i32
    %c0_i32_1 = arith.constant 0 : i32
    %c0_i32_2 = arith.constant 0 : i32
    return %c0_i32, %c0_i32_0, %c0_i32_1 : i32, i32, i32
  }
  func.func @transform_5(%arg0: i32) -> (i32, i32) {
    %c0_i32 = arith.constant 0 : i32
    %c0_i32_0 = arith.constant 0 : i32
    %c0_i32_1 = arith.constant 0 : i32
    return %c0_i32, %c0_i32_0 : i32, i32
  }
  func.func @transform_6(%arg0: i32) -> (i32, i32) {
    %c0_i32 = arith.constant 0 : i32
    %c0_i32_0 = arith.constant 0 : i32
    return %arg0, %c0_i32 : i32, i32
  }
}

</mosaic_0001>

<sc_bundles>
// kernel: body.5.cloned.1.call-start
scs
__scs_entry_jumppad:
0x0: {  	(pc) =	sbr.rel $0x88, $3  }
0x1: {  	(tag) =	ssettag $0x0;
	lr =	simm.s32 $0x1  }
0x2: {  	[smem:$0x3F99] =	sst lr;
	_ =	strace $0xD0000000  }
0x3: {  	_ = 	snop  }
0x4: {  	_ = 	snop  }
0x5: {  	_ = 	snop  }
0x6: {  	_ = 	snop  }
0x7: {  	_ = 	snop  }
__scs_overlays_trampoline_lowered:
0x8: {  	[smem:$0x3FA8] =	sst s0  }
0x9: {  	[smem:$0x3FA9] =	sst s1  }
0xa: {  	[smem:$0x3FAA] =	sst s2  }
0xb: {  	[smem:$0x3FAB] =	sst s3  }
0xc: {  	[smem:$0x3FAC] =	sst s4  }
0xd: {  	[smem:$0x3FAD] =	sst s5  }
0xe: {  	[smem:$0x3FAE] =	sst s6  }
0xf: {  	[smem:$0x3FAF] =	sst s7  }
0x10: {  	[smem:$0x3FB0] =	sst s8  }
0x11: {  	[smem:$0x3FB1] =	sst s9;
	s0 =	simm.s32 @!p0 $0x0  }
0x12: {  	s1 =	sld [smem:$0x3F97];
	s0 =	simm.s32 @p0 $0x1  }
0x13: {  	[smem:$0x3FB2] =	sst s0;
	s0 =	simm.s32 @!p1 $0x0  }
0x14: {  	s2 =	sld [smem:$0x3F96];
	s0 =	simm.s32 @p1 $0x1  }
0x15: {  	[smem:$0x3FB3] =	sst s0;
	s0 =	simm.s32 @!p2 $0x0  }
0x16: {  	s3 =	sld [smem:$0x3FDB];
	s0 =	simm.s32 @p2 $0x1  }
0x17: {  	s4 =	simm.s32 $0x1BF5;
	[smem:$0x3FB5] =	sst s0  }
0x18: {  	s0 =	sld [smem:$0x3F98];
	_ =	swait.ge [sflag:s4], $0x0  }
0x19: {  	s7 =	sld [smem:$0x3F99]  }
0x1a: {  	s8 =	sadd.s32 $0xFFFFE003, lr  }
0x1b: {  	s9 =	sadd.s32 $0xFFFFFEF7, lr;
	s5 =	simm.s32 $0xFFFFFFFF;
	p2 =	slt.u32 s8, $0xFFFFF086  }
0x1c: {  	p1 =	slt.u32 s9, $0xF7A;
	s5 =	simm.s32 @!p2 $0x0  }
0x1d: {  	s5 =	simm.s32 @p1 $0x1;
	p0 =	seq.s32 s7, s2  }
0x1e: {  	s7 =	smul.u32 @!p0 $0xF7A, s2;
	p2 =	seq.s32 @!p0 s5, $0x0  }
0x1f: {  	s9 =	smul.u32 $0xF7A, s1;
	s8 =	simm.s32 @!p0 $0x1BF5;
	p2 =	por !p2, p0  }
0x20: {  	[sflag:s8] =	ssyncset.s32 @!p0 $0xFFFFF086;
	s6 =	sadd.s32 @!p0 s3, s7;
	s7 =	simm.s32 @!p0 $0x108  }
0x21: {  	s3 =	sadd.s32 s3, s9;
	s6 =	sadd.s32 @!p0 $0x88, s6;
	s7 =	simm.s32 @p2 $0x1082  }
0x22: {  	[simem:s7], [sflag:s8] =	dma.local @!p0 [hbm:s6], $0xF7A  }
0x23: {  	s9 =	sor.u32 $0xD0000000, s2;
	s6 =	simm.s32 $0x108;
	_ =	swait.ge @!p0 [sflag:s8], $0x0  }
0x24: {  	s3 =	sadd.s32 $0x88, s3;
	s6 =	simm.s32 @!p1 $0x1082;
	[sflag:s4] =	ssyncset.s32 $0xFFFFF086  }
0x25: {  	[simem:s6], [sflag:s4] =	dma.local [hbm:s3], $0xF7A  }
0x26: {  	[smem:$0x3F99] =	sst s1;
	(tag) =	ssettag s2;
	_ =	strace s9  }
0x27: {  	s1 =	sld [smem:$0x3FA9]  }
0x28: {  	s2 =	sld [smem:$0x3FAA]  }
0x29: {  	s4 =	sld [smem:$0x3FAC]  }
0x2a: {  	p0 =	seq.s32 s5, $0x0;
	s5 =	sld [smem:$0x3FAD]  }
0x2b: {  	s6 =	sld [smem:$0x3FAE]  }
0x2c: {  	s7 =	sld [smem:$0x3FAF]  }
0x2d: {  	s3 =	simm.s32 $0x108;
	s8 =	sld [smem:$0x3FB0]  }
0x2e: {  	s3 =	simm.s32 @!p0 $0x1082;
	s9 =	sld [smem:$0x3FB1]  }
0x2f: {  	lr =	sadd.s32 s0, s3;
	s0 =	sld [smem:$0x3FA8]  }
0x30: {  	s3 =	sld [smem:$0x3FAB]  }
0x31: {  	[smem:$0x3FB4] =	sst s10  }
0x32: {  	s10 =	sld [smem:$0x3FB2];
	_ =	sdelay $0x3  }
0x33: {  	p0 =	seq.s32 s10, $0x1;
	s10 =	sld [smem:$0x3FB4];
	_ =	sdelay $0x3  }
0x34: {  	[smem:$0x3FB4] =	sst s10  }
0x35: {  	s10 =	sld [smem:$0x3FB3];
	_ =	sdelay $0x3  }
0x36: {  	p1 =	seq.s32 s10, $0x1;
	s10 =	sld [smem:$0x3FB4];
	_ =	sdelay $0x3  }
0x37: {  	[smem:$0x3FB4] =	sst s10  }
0x38: {  	s10 =	sld [smem:$0x3FB5]  }
0x39: {  	_ = 	snop;
	(pc) =	sbr.ind lr, $3  }
0x3a: {  	_ = 	snop  }
0x3b: {  	_ = 	snop  }
0x3c: {  	p2 =	seq.s32 s10, $0x1;
	s10 =	sld [smem:$0x3FB4]  }
0x3d: {  	_ =	shalt  }
0x3e: {  	_ =	shalt  }
0x3f: {  	_ =	shalt  }
0x40: {  	_ =	shalt  }
0x41: {  	_ =	shalt  }
0x42: {  	_ =	shalt  }
0x43: {  	_ =	shalt  }
0x44: {  	_ =	shalt  }
0x45: {  	_ =	shalt  }
0x46: {  	_ =	shalt  }
0x47: {  	_ =	shalt  }
0x48: {  	_ =	shalt  }
0x49: {  	_ =	shalt  }
0x4a: {  	_ =	shalt  }
0x4b: {  	_ =	shalt  }
0x4c: {  	_ =	shalt  }
0x4d: {  	_ =	shalt  }
0x4e: {  	_ =	shalt  }
0x4f: {  	_ =	shalt  }
0x50: {  	_ =	shalt  }
0x51: {  	_ =	shalt  }
0x52: {  	_ =	shalt  }
0x53: {  	_ =	shalt  }
0x54: {  	_ =	shalt  }
0x55: {  	_ =	shalt  }
0x56: {  	_ =	shalt  }
0x57: {  	_ =	shalt  }
0x58: {  	_ =	shalt  }
0x59: {  	_ =	shalt  }
0x5a: {  	_ =	shalt  }
0x5b: {  	_ =	shalt  }
0x5c: {  	_ =	shalt  }
0x5d: {  	_ =	shalt  }
0x5e: {  	_ =	shalt  }
0x5f: {  	_ =	shalt  }
0x60: {  	_ =	shalt  }
0x61: {  	_ =	shalt  }
0x62: {  	_ =	shalt  }
0x63: {  	_ =	shalt  }
0x64: {  	_ =	shalt  }
0x65: {  	_ =	shalt  }
0x66: {  	_ =	shalt  }
0x67: {  	_ =	shalt  }
0x68: {  	_ =	shalt  }
0x69: {  	_ =	shalt  }
0x6a: {  	_ =	shalt  }
0x6b: {  	_ =	shalt  }
0x6c: {  	_ =	shalt  }
0x6d: {  	_ =	shalt  }
0x6e: {  	_ =	shalt  }
0x6f: {  	_ =	shalt  }
0x70: {  	_ =	shalt  }
0x71: {  	_ =	shalt  }
0x72: {  	_ =	shalt  }
0x73: {  	_ =	shalt  }
0x74: {  	_ =	shalt  }
0x75: {  	_ =	shalt  }
0x76: {  	_ =	shalt  }
0x77: {  	_ =	shalt  }
0x78: {  	_ =	shalt  }
0x79: {  	_ =	shalt  }
0x7a: {  	_ =	shalt  }
0x7b: {  	_ =	shalt  }
0x7c: {  	_ =	shalt  }
0x7d: {  	_ =	shalt  }
0x7e: {  	_ =	shalt  }
0x7f: {  	_ =	shalt  }
0x80: {  	_ =	shalt  }
0x81: {  	_ =	shalt  }
0x82: {  	_ =	shalt  }
0x83: {  	_ =	shalt  }
0x84: {  	_ =	shalt  }
0x85: {  	_ =	shalt  }
0x86: {  	_ =	shalt  }
0x87: {  	_ =	shalt  }
.Lfunc_end0:
.L_simem_size_0:
called_computation_lowered:
.L_overlay_start_0:
0x88: {  	s2 =	sld [smem:$0x3FD9]  }
0x89: {  	s3 =	sld [smem:$0x3FFE];
	_ =	sdelay $0x1  }
0x8a: {  	s1 =	srdreg.scid  }
0x8b: {  	s0 =	sand.u32 $0x1, s1  }
0x8c: {  	s17 =	sshll.u32 s0, $0xA;
	s2 =	sadd.s32 s3, s2  }
0x8d: {  	s2 =	sadd.s32 s2, s17  }
0x8e: {  	[smem:$0x3FC0] =	sst s2  }
0x8f: {  	_ = 	snop  }
0x90: {  	s2 =	sld [smem:$0x3FD0];
	(tm) =	ssettm $0x1  }
0x91: {  	s18 =	sld [smem:$0x3FFB];
	_ =	sdelay $0x3  }
0x92: {  	_ =	strace s18  }
0x93: {  	s3 =	sld [smem:$0x3FFC];
	_ =	sdelay $0x3  }
0x94: {  	_ =	strace s3  }
0x95: {  	s3 =	sld [smem:$0x3FFD];
	_ =	sdelay $0x3  }
0x96: {  	_ =	strace s3  }
0x97: {  	_ =	strace $0x8FFFFFFF  }
0x98: {  	s19 =	sld [smem:$0x3FDB];
	_ =	sdelay $0x1  }
0x99: {  	s4 =	simm.s32 $_scs_section_size  }
0x9a: {  	s5 =	simm.s32 $_size__tile_overlayer_lowered;
	s6 =	simm.s32 $_tile_overlayer_lowered  }
0x9b: {  	s22 =	simm.s32 $0x1BFF;
	s21 =	sshll.u32 s6, $0x1;
	s3 =	sadd.s32 s4, s19  }
0x9c: {  	s7 =	simm.s32 $0x0;
	s20 =	sshll.u32 s5, $0x1;
	s5 =	sadd.s32 s21, s3  }
0x9d: {  	[timem:s7], [sflag:s22] =	dma.local [hbm:s5], s20  }
0x9e: {  	_ =	swait.ge [sflag:s22], s20  }
0x9f: {  	s4 =	ssub.s32 $0x0, s20;
	[sflag:s22] =	ssyncset.done $0x0  }
0xa0: {  	[sflag:s22] =	ssyncadd.s32 s4;
	_ =	sdelay $0x1  }
0xa1: {  	s23 =	simm.s32 $0x1B8B  }
0xa2: {  	_ =	swait.ge [sflag:s23], $0x1  }
0xa3: {  	[sflag:s23] =	ssyncset.done $0x0  }
0xa4: {  	s25 =	simm.s32 $0x1B8E;
	s24 =	sld [smem:$0x3FFE];
	[sflag:s23] =	ssyncadd.s32 $0xFFFFFFFF  }
0xa5: {  	s26 =	simm.s32 $execute0_lowered;
	[smem:$0x3FD2] =	sst s25  }
0xa6: {  	s5 =	sshll.u32 s26, $0x1;
	_ =	strace $0x80000046;
	[dreg:$0x1] =	wrdreg $0xFFFFFFFF  }
0xa7: {  	s28 =	simm.s32 $_size_execute0_lowered;
	s3 =	sadd.s32 s3, s5;
	[dreg:$0x0] =	wrdreg $0x0  }
0xa8: {  	s5 =	sshll.u32 s28, $0x1;
	[dreg:$0x2] =	wrdreg s3  }
0xa9: {  	[dreg:$0x3] =	wrdreg s5  }
0xaa: {  	[dreg:$0x4] =	wrdreg $0xC0  }
0xab: {  	_ =	task [dreg:s7], $0x5FFFF  }
0xac: {  	[dreg:$0x1] =	wrdreg $0xFFFFFFFF  }
0xad: {  	[dreg:$0x0] =	wrdreg $0x60  }
0xae: {  	[dreg:$0x2] =	wrdreg s24  }
0xaf: {  	[dreg:$0x3] =	wrdreg s2  }
0xb0: {  	[dreg:$0x4] =	wrdreg $0x88000  }
0xb1: {  	[dreg:$0x5] =	wrdreg $0x9  }
0xb2: {  	_ =	task.clear_ibuf [dreg:s7], $0x6FFFF;
	_ =	strace $0x90000046  }
0xb3: {  	s29 =	simm.s32 $0x9;
	_ =	strace $0x80000048  }
0xb4: {  	_ =	swait.ge [sflag:s29], $0x1  }
0xb5: {  	[sflag:s29] =	ssyncadd.s32 $0xFFFFFFFF  }
0xb6: {  	_ =	strace $0x90000048  }
0xb7: {  	_ =	sfence  }
0xb8: {  	s30 =	sld [smem:$0x0];
	_ =	sdelay $0x2  }
0xb9: {  	s31 =	sshll.u32 s1, $0xD;
	s1 =	sshrl.u32 s1, $0x2  }
0xba: {  	s3 =	sand.u32 $0x4000, s31;
	s1 =	sadd.s32 s1, s30  }
0xbb: {  	s0 =	sor.u32 s3, s0;
	s1 =	sshll.u32 s1, $0x11  }
0xbc: {  	s0 =	sor.u32 s1, s0  }
0xbd: {  	s0 =	sadd.s32 $0x8F2B, s0  }
0xbe: {  	[sflag:s0] =	ssyncadd.remote.s32 $0x1  }
0xbf: {  	_ =	sfence.sel $0xFFFF  }
0xc0: {  	[dreg:$0x0] =	wrdreg $0xFFFFFFFF;
	(pc) =	sbr.abs _section_cstart, $3  }
0xc1: {  	[dreg:$0x1] =	wrdreg $0xFFFFFFFF  }
0xc2: {  	_ =	task.clear_ibuf [dreg:s7], $0x2FFFF;
	_ =	strace $0x9FFFFFFF  }
0xc3: {  	(tm) =	ssettm $0x7FFFFFFF  }
tec
execute0_lowered:
.L_overlay_start_1:
0x0: {  	(tag) =	ssettag $0x1  }
0x1: {  	s0 =	rddreg [dreg:$0x0]  }
0x2: {  	s2 =	rddreg [dreg:$0x2]  }
0x3: {  	s1 =	srdreg.scid;
	s4 =	simm.s32 $0x0;
	s12 =	stileid.u32  }
0x4: {  	s28 =	simm.s32 $0x4800;
	s29 =	simm.s32 $0xA;
	s31 =	simm.s32 $0x500  }
0x5: {  	s16 =	simm.s32 $0x6;
	s18 =	simm.s32 $0x7;
	s6 =	smul.u32 $0x14000, s12  }
0x6: {  	s30 =	simm.s32 $0x8;
	s17 =	simm.s32 $0x0;
	s8 =	smul.u32 $0x50000, s12  }
0x7: {  	s1 =	sand.u32 $0x1, s1;
	[smem:$0x7FF] =	sst s4;
	s22 =	smul.u32 $0x50, s12  }
0x8: {  	s5 =	sadd.s32 $0xCC000, s0;
	s7 =	sadd.s32 $0xF4000, s0;
	s24 =	smul.u32 $0xA00, s12  }
0x9: {  	s20 =	sshll.u32 s12, $0x6;
	s3 =	smul.u32 $0x140000, s1;
	_ =	strace $0x80000047  }
0xa: {  	s19 =	sshll.u32 s1, $0x4;
	s9 =	ssub.s32 $0x2, s1;
	s21 =	smul.u32 $0x500, s1  }
0xb: {  	s14 =	sor.u32 $0x1C0D, s20;
	s1 =	smul.u32 $0xA000, s1;
	s20 =	simm.s32 $0x300  }
0xc: {  	s10 =	sshrl.u32 s9, $0x1;
	s8 =	sshrl.u32 s8, $0x2;
	[dreg:$0x4] =	wrdreg s14  }
0xd: {  	s3 =	sadd.s32 s6, s3;
	s6 =	sor.u32 s12, s19;
	s9 =	ssub.s32 s9, s10  }
0xe: {  	s8 =	sadd.s32 s8, s2;
	s25 =	sadd.s32 s22, s21;
	s1 =	sadd.s32 s1, s7  }
0xf: {  	s21 =	simm.s32 $0x1;
	s22 =	simm.s32 $0x80;
	s10 =	simm.s32 $0xC  }
0x10: {  	s12 =	simm.s32 $0x700;
	s3 =	sshrl.u32 s3, $0x3;
	s6 =	smul.u32 $0xA00, s6  }
0x11: {  	s9 =	smax.u32 s9, $0x1;
	s3 =	sadd.s32 s3, s0;
	s0 =	sadd.s32 $0xF4040, s0  }
0x12: {  	[dreg:$0xa] =	wrdreg s9;
	s13 =	sadd.s32 s7, s6;
	s6 =	sadd.s32 s6, s0  }
0x13: {  	s9 =	simm.s32 $0x4;
	s3 =	sadd.s32 $0x108000, s3;
	[dreg:$0x7] =	wrdreg s6  }
0x14: {  	s11 =	sadd.s32 $0x20, s13;
	[dreg:$0x5] =	wrdreg s13;
	s23 =	sadd.s32 $0x60, s13  }
0x15: {  	[dreg:$0x9] =	wrdreg s3;
	s6 =	sshll.u32 s25, $0x5;
	s13 =	sadd.s32 s24, s1  }
0x16: {  	s24 =	simm.s32 $0x9;
	s25 =	simm.s32 $0x400;
	[dreg:$0x6] =	wrdreg s11  }
.Ltmp0:
0x17: {  	s3 =	simm.s32 $0xB;
	[dreg:$0x8] =	wrdreg s23;
	(pc) =	sbr.rel .LBB2_1-.Ltmp0, $4  }
0x18: {  	s26 =	sadd.s32 s6, s7;
	s0 =	sadd.s32 s6, s0;
	s6 =	sshrl.u32 s8, $0x3  }
0x19: {  	s11 =	simm.s32 $0xD;
	s23 =	simm.s32 $0x800;
	s8 =	simm.s32 $0x600  }
0x1a: {  	s7 =	simm.s32 $0x5;
	[dreg:$0xb] =	wrdreg s26;
	s15 =	sadd.s32 $0x80, s0  }
0x1b: {  	s26 =	simm.s32 $0x2;
	s0 =	simm.s32 $0x3;
	[dreg:$0xc] =	wrdreg s6  }
.LBB2_4:
0x1c: {  	_ =	swait.ge [sflag:s3], $0x4000  }
0x1d: {  	[sflag:s3] =	ssyncset.done $0x0  }
0x1e: {  	[sflag:s3] =	ssyncadd.s32 $0xFFFFC000  }
0x1f: {  	_ =	swait.ge [sflag:s10], $0x4000  }
0x20: {  	[sflag:s10] =	ssyncset.done $0x0  }
0x21: {  	[sflag:s10] =	ssyncadd.s32 $0xFFFFC000  }
0x22: {  	[bflag:$0x0] =	sbarrier.arrive $0xFFFF  }
0x23: {  	s14 =	rddreg [dreg:$0x4]  }
0x24: {  	s1 =	rddreg [dreg:$0x9]  }
0x25: {  	s11 =	simm.s32 $0xD;
	s6 =	rddreg [dreg:$0xc]  }
0x26: {  	[hbm:s1], [sflag:s14] =	dma.local [spmem:s6], $0x2800  }
0x27: {  	_ =	swait.ge [sflag:s11], $0x2800  }
0x28: {  	s17 =	rddreg [dreg:$0xd]  }
0x29: {  	s19 =	rddreg [dreg:$0xa];
	s17 =	sadd.s32 $0x1, s17  }
0x2a: {  	p0 =	sne.s32 s17, s19  }
.Ltmp1:
0x2b: {  	_ = 	snop;
	(pc) =	sbr.rel @!p0 .LBB2_5-.Ltmp1, $3  }
0x2c: {  	_ =	sdelay $0x1  }
0x2d: {  	[sflag:s11] =	ssyncset.done $0x0  }
0x2e: {  	[sflag:s11] =	ssyncadd.s32 $0xFFFFD800  }
.LBB2_1:
0x2f: {  	[dreg:$0xd] =	wrdreg s17  }
0x30: {  	s1 =	rddreg [dreg:$0x1]  }
0x31: {  	[spmem:s6], [sflag:s14] =	dma.local [hbm:s1], $0x2800  }
0x32: {  	_ =	swait.ge [sflag:s11], $0x2800  }
0x33: {  	[sflag:s11] =	ssyncset.done $0x0  }
0x34: {  	s19 =	rddreg [dreg:$0x5];
	[sflag:s11] =	ssyncadd.s32 $0xFFFFD800  }
0x35: {  	[tilespmem:s4], [sflag:$0x1] =	stream.linear.gather [hbm4b:s19+s4], $0x100, $0x38;
	[tilespmem:$0x1C800] =	vst v63  }
0x36: {  	s6 =	rddreg [dreg:$0x6];
	s11 =	simm.s32 $0x100  }
0x37: {  	[tilespmem:s11], [sflag:$0x2] =	stream.linear.gather [hbm4b:s6+s4], $0x100, $0x38;
	[tilespmem:$0x1C800] =	vst v63  }
0x38: {  	s17 =	simm.s32 $0x200;
	s14 =	rddreg [dreg:$0x7]  }
0x39: {  	[tilespmem:s17], [sflag:$0x3] =	stream.linear.gather [hbm4b:s14+s4], $0x100, $0x38;
	[tilespmem:$0x1C800] =	vst v63  }
0x3a: {  	s19 =	rddreg [dreg:$0x8]  }
0x3b: {  	[tilespmem:s20], [sflag:$0x4] =	stream.linear.gather [hbm4b:s19+s4], $0x100, $0x38;
	[tilespmem:$0x1C800] =	vst v63  }
0x3c: {  	_ =	swait.ge [sflag:s21], $0x100  }
0x3d: {  	[sflag:s21] =	ssyncset.done $0x0  }
0x3e: {  	[sflag:s21] =	ssyncadd.s32 $0xFFFFFF00  }
0x3f: {  	[tilespmem:s23], [sflag:$0x9] =	stream.indirect.gather [hbm4b:s5+s22], $0x80, s4, s22, $0xb8;
	[tilespmem:$0x1C800] =	vst v63  }
0x40: {  	s11 =	simm.s32 $0x0;
	[bflag:$0x0] =	sbarrier.arrive $0xFFFF  }
.LBB2_2:
0x41: {  	_ =	swait.ge [sflag:s24], $0x4000  }
0x42: {  	[sflag:s24] =	ssyncset.done $0x0  }
0x43: {  	s6 =	sadd.s32 s11, s13;
	[sflag:s24] =	ssyncadd.s32 $0xFFFFC000  }
0x44: {  	[spmem:s2] =	stream.indirect.scatter.add.f32 [tilespmem:s23], [sflag:$0xB], $0x80, s22, s22, $0xb8;
	[tilespmem:$0x1C800] =	vst v63  }
0x45: {  	s17 =	sadd.s32 $0x80, s6  }
0x46: {  	[tilespmem:s25], [sflag:$0x5] =	stream.linear.gather [hbm4b:s17+s4], $0x100, $0x38;
	[tilespmem:$0x1C800] =	vst v63  }
0x47: {  	_ =	swait.ge [sflag:s26], $0x100  }
0x48: {  	p0 =	seq.s32 s11, $0x0;
	[sflag:s26] =	ssyncset.done $0x0  }
0x49: {  	s17 =	simm.s32 @!p0 $0xC;
	[sflag:s26] =	ssyncadd.s32 $0xFFFFFF00  }
0x4a: {  	_ =	swait.ge @!p0 [sflag:s17], $0x4000  }
0x4b: {  	[sflag:s17] =	ssyncset.done @!p0 $0x0  }
0x4c: {  	s1 =	simm.s32 $0x100;
	[sflag:s17] =	ssyncadd.s32 @!p0 $0xFFFFC000  }
0x4d: {  	[tilespmem:s28], [sflag:$0xA] =	stream.indirect.gather [hbm4b:s5+s22], $0x80, s1, s22, $0xb8;
	[tilespmem:$0x1C800] =	vst v63  }
0x4e: {  	_ =	swait.ge [sflag:s29], $0x4000  }
0x4f: {  	[sflag:s29] =	ssyncset.done $0x0  }
0x50: {  	s17 =	simm.s32 $0x180;
	s19 =	rddreg [dreg:$0xb];
	[sflag:s29] =	ssyncadd.s32 $0xFFFFC000  }
0x51: {  	[spmem:s2] =	stream.indirect.scatter.add.f32 [tilespmem:s28], [sflag:$0xC], $0x80, s17, s22, $0xb8;
	[tilespmem:$0x1C800] =	vst v63  }
0x52: {  	s17 =	sadd.s32 s11, s19  }
0x53: {  	s19 =	sadd.s32 $0xA0, s17  }
0x54: {  	[tilespmem:s31], [sflag:$0x6] =	stream.linear.gather [hbm4b:s19+s4], $0x100, $0x38;
	[tilespmem:$0x1C800] =	vst v63  }
0x55: {  	_ =	swait.ge [sflag:s0], $0x100  }
0x56: {  	[sflag:s0] =	ssyncset.done $0x0  }
0x57: {  	[sflag:s0] =	ssyncadd.s32 $0xFFFFFF00  }
0x58: {  	_ =	swait.ge [sflag:s3], $0x4000  }
0x59: {  	[sflag:s3] =	ssyncset.done $0x0  }
0x5a: {  	s14 =	simm.s32 $0x200;
	[sflag:s3] =	ssyncadd.s32 $0xFFFFC000  }
0x5b: {  	[tilespmem:s23], [sflag:$0x9] =	stream.indirect.gather [hbm4b:s5+s22], $0x80, s14, s22, $0xb8;
	[tilespmem:$0x1C800] =	vst v63  }
0x5c: {  	_ =	swait.ge [sflag:s24], $0x4000  }
0x5d: {  	[sflag:s24] =	ssyncset.done $0x0  }
0x5e: {  	s19 =	simm.s32 $0x280;
	[sflag:s24] =	ssyncadd.s32 $0xFFFFC000  }
0x5f: {  	[spmem:s2] =	stream.indirect.scatter.add.f32 [tilespmem:s23], [sflag:$0xB], $0x80, s19, s22, $0xb8;
	[tilespmem:$0x1C800] =	vst v63  }
0x60: {  	s1 =	sadd.s32 s11, s15  }
0x61: {  	[tilespmem:s8], [sflag:$0x7] =	stream.linear.gather [hbm4b:s1+s4], $0x100, $0x38;
	[tilespmem:$0x1C800] =	vst v63  }
0x62: {  	_ =	swait.ge [sflag:s9], $0x100  }
0x63: {  	[sflag:s9] =	ssyncset.done $0x0  }
0x64: {  	[sflag:s9] =	ssyncadd.s32 $0xFFFFFF00  }
0x65: {  	_ =	swait.ge [sflag:s10], $0x4000  }
0x66: {  	[sflag:s10] =	ssyncset.done $0x0  }
0x67: {  	[sflag:s10] =	ssyncadd.s32 $0xFFFFC000  }
0x68: {  	[tilespmem:s28], [sflag:$0xA] =	stream.indirect.gather [hbm4b:s5+s22], $0x80, s20, s22, $0xb8;
	[tilespmem:$0x1C800] =	vst v63  }
0x69: {  	_ =	swait.ge [sflag:s29], $0x4000  }
0x6a: {  	[sflag:s29] =	ssyncset.done $0x0  }
0x6b: {  	s14 =	simm.s32 $0x380;
	[sflag:s29] =	ssyncadd.s32 $0xFFFFC000  }
0x6c: {  	[spmem:s2] =	stream.indirect.scatter.add.f32 [tilespmem:s28], [sflag:$0xC], $0x80, s14, s22, $0xb8;
	[tilespmem:$0x1C800] =	vst v63  }
0x6d: {  	s17 =	sadd.s32 $0xE0, s17  }
0x6e: {  	[tilespmem:s12], [sflag:$0x8] =	stream.linear.gather [hbm4b:s17+s4], $0x100, $0x38;
	[tilespmem:$0x1C800] =	vst v63  }
0x6f: {  	_ =	swait.ge [sflag:s7], $0x100  }
0x70: {  	[sflag:s7] =	ssyncset.done $0x0  }
0x71: {  	[sflag:s7] =	ssyncadd.s32 $0xFFFFFF00  }
0x72: {  	_ =	swait.ge [sflag:s3], $0x4000  }
0x73: {  	[sflag:s3] =	ssyncset.done $0x0  }
0x74: {  	[sflag:s3] =	ssyncadd.s32 $0xFFFFC000  }
0x75: {  	[tilespmem:s23], [sflag:$0x9] =	stream.indirect.gather [hbm4b:s5+s22], $0x80, s25, s22, $0xb8;
	[tilespmem:$0x1C800] =	vst v63  }
0x76: {  	_ =	swait.ge [sflag:s24], $0x4000  }
0x77: {  	[sflag:s24] =	ssyncset.done $0x0  }
0x78: {  	p0 =	seq.s32 s11, $0x900;
	s17 =	simm.s32 $0x480;
	[sflag:s24] =	ssyncadd.s32 $0xFFFFC000  }
0x79: {  	[spmem:s2] =	stream.indirect.scatter.add.f32 [tilespmem:s23], [sflag:$0xB], $0x80, s17, s22, $0xb8;
	[tilespmem:$0x1C800] =	vst v63  }
0x7a: {  	s17 =	sadd.s32 @!p0 s11, s13  }
0x7b: {  	s1 =	simm.s32 @!p0 $0x0;
	s19 =	sadd.s32 @!p0 $0x100, s17  }
0x7c: {  	[tilespmem:s1], [sflag:$0x1] =	stream.linear.gather @!p0 [hbm4b:s19+s1], $0x100, $0x38;
	[tilespmem:$0x1C800] =	vst v63  }
0x7d: {  	_ =	swait.ge [sflag:s16], $0x100  }
0x7e: {  	[sflag:s16] =	ssyncset.done $0x0  }
0x7f: {  	[sflag:s16] =	ssyncadd.s32 $0xFFFFFF00  }
0x80: {  	_ =	swait.ge [sflag:s10], $0x4000  }
0x81: {  	[sflag:s10] =	ssyncset.done $0x0  }
0x82: {  	[sflag:s10] =	ssyncadd.s32 $0xFFFFC000  }
0x83: {  	[tilespmem:s28], [sflag:$0xA] =	stream.indirect.gather [hbm4b:s5+s22], $0x80, s31, s22, $0xb8;
	[tilespmem:$0x1C800] =	vst v63  }
0x84: {  	_ =	swait.ge [sflag:s29], $0x4000  }
0x85: {  	[sflag:s29] =	ssyncset.done $0x0  }
0x86: {  	s14 =	simm.s32 $0x580;
	[sflag:s29] =	ssyncadd.s32 $0xFFFFC000  }
0x87: {  	[spmem:s2] =	stream.indirect.scatter.add.f32 [tilespmem:s28], [sflag:$0xC], $0x80, s14, s22, $0xb8;
	[tilespmem:$0x1C800] =	vst v63  }
0x88: {  	s19 =	sadd.s32 @!p0 $0x120, s17;
	s14 =	simm.s32 @!p0 $0x100  }
0x89: {  	[tilespmem:s14], [sflag:$0x2] =	stream.linear.gather @!p0 [hbm4b:s19+s1], $0x100, $0x38;
	[tilespmem:$0x1C800] =	vst v63  }
0x8a: {  	_ =	swait.ge [sflag:s18], $0x100  }
0x8b: {  	[sflag:s18] =	ssyncset.done $0x0  }
0x8c: {  	[sflag:s18] =	ssyncadd.s32 $0xFFFFFF00  }
0x8d: {  	_ =	swait.ge [sflag:s3], $0x4000  }
0x8e: {  	[sflag:s3] =	ssyncset.done $0x0  }
0x8f: {  	[sflag:s3] =	ssyncadd.s32 $0xFFFFC000  }
0x90: {  	[tilespmem:s23], [sflag:$0x9] =	stream.indirect.gather [hbm4b:s5+s22], $0x80, s8, s22, $0xb8;
	[tilespmem:$0x1C800] =	vst v63  }
0x91: {  	_ =	swait.ge [sflag:s24], $0x4000  }
0x92: {  	[sflag:s24] =	ssyncset.done $0x0  }
0x93: {  	s19 =	simm.s32 $0x680;
	[sflag:s24] =	ssyncadd.s32 $0xFFFFC000  }
0x94: {  	[spmem:s2] =	stream.indirect.scatter.add.f32 [tilespmem:s23], [sflag:$0xB], $0x80, s19, s22, $0xb8;
	[tilespmem:$0x1C800] =	vst v63  }
0x95: {  	s14 =	sadd.s32 @!p0 $0x140, s17;
	s17 =	simm.s32 @!p0 $0x200  }
0x96: {  	[tilespmem:s17], [sflag:$0x3] =	stream.linear.gather @!p0 [hbm4b:s14+s1], $0x100, $0x38;
	[tilespmem:$0x1C800] =	vst v63  }
0x97: {  	_ =	swait.ge [sflag:s30], $0x100  }
0x98: {  	[sflag:s30] =	ssyncset.done $0x0  }
0x99: {  	[sflag:s30] =	ssyncadd.s32 $0xFFFFFF00  }
0x9a: {  	_ =	swait.ge [sflag:s10], $0x4000  }
0x9b: {  	[sflag:s10] =	ssyncset.done $0x0  }
0x9c: {  	[sflag:s10] =	ssyncadd.s32 $0xFFFFC000  }
0x9d: {  	[tilespmem:s28], [sflag:$0xA] =	stream.indirect.gather [hbm4b:s5+s22], $0x80, s12, s22, $0xb8;
	[tilespmem:$0x1C800] =	vst v63  }
.Ltmp2:
0x9e: {  	_ = 	snop;
	(pc) =	sbr.rel @p0 .LBB2_4-.Ltmp2, $4  }
0x9f: {  	_ =	swait.ge [sflag:s29], $0x4000  }
0xa0: {  	[sflag:s29] =	ssyncset.done $0x0  }
0xa1: {  	s19 =	simm.s32 $0x780;
	[sflag:s29] =	ssyncadd.s32 $0xFFFFC000  }
0xa2: {  	[spmem:s2] =	stream.indirect.scatter.add.f32 [tilespmem:s28], [sflag:$0xC], $0x80, s19, s22, $0xb8;
	[tilespmem:$0x1C800] =	vst v63  }
0xa3: {  	s1 =	sadd.s32 $0x160, s6  }
0xa4: {  	[tilespmem:s20], [sflag:$0x4] =	stream.linear.gather [hbm4b:s1+s4], $0x100, $0x38;
	[tilespmem:$0x1C800] =	vst v63  }
0xa5: {  	_ =	swait.ge [sflag:s21], $0x100  }
0xa6: {  	[sflag:s21] =	ssyncset.done $0x0  }
.Ltmp3:
0xa7: {  	[sflag:s21] =	ssyncadd.s32 $0xFFFFFF00;
	(pc) =	sbr.rel .LBB2_2-.Ltmp3, $4  }
0xa8: {  	_ =	swait.ge [sflag:s3], $0x4000  }
0xa9: {  	[sflag:s3] =	ssyncset.done $0x0  }
0xaa: {  	s11 =	sadd.s32 $0x100, s11;
	[sflag:s3] =	ssyncadd.s32 $0xFFFFC000  }
0xab: {  	[tilespmem:s23], [sflag:$0x9] =	stream.indirect.gather [hbm4b:s5+s22], $0x80, s4, s22, $0xb8;
	[tilespmem:$0x1C800] =	vst v63  }
.LBB2_5:
0xac: {  	_ =	sfence.sel $0x180000  }
0xad: {  	[bflag:$0x0] =	sbarrier.arrive $0xFFFF  }
0xae: {  	_ =	strace $0x90000047  }
0xaf: {  	s0 =	stileid.u32;
	[bflag:$0x2] =	sbarrier.arrive $0xFFFF  }
0xb0: {  	p0 =	sne.s32 s0, $0x0;
	s0 =	rddreg [dreg:$0x3]  }
0xb1: {  	s0 =	sadd.s32 @!p0 $0x100000, s0  }
0xb2: {  	[sflag:s0] =	ssyncadd.tile.s32 @!p0 $0x1;
	_ =	shalt  }
.Lfunc_end2:
_tile_overlayer_lowered:
.L_overlay_start_2:
0xb3: {  	(tag) =	ssettag $0x2  }
0xb4: {  	s0 =	rddreg [dreg:$0x0];
	s2 =	stileid.u32  }
0xb5: {  	s1 =	rddreg [dreg:$0x1];
	p0 =	sne.s32 s2, $0x0  }
0xb6: {  	s3 =	rddreg [dreg:$0x2];
	[bflag:$0x3] =	sbarrier.arrive $0xFFFF;
	s2 =	simm.s32 @!p0 $0x1C0D  }
0xb7: {  	[timem:s3], [sflag:s2] =	dma.local @!p0 [hbm:s0], s1  }
0xb8: {  	s0 =	simm.s32 @!p0 $0xD  }
0xb9: {  	_ =	swait.ge @!p0 [sflag:s0], s1  }
0xba: {  	s1 =	ssub.s32 @!p0 $0x0, s1;
	[sflag:s0] =	ssyncset.done @!p0 $0x0  }
0xbb: {  	[sflag:s0] =	ssyncadd.s32 @!p0 s1  }
0xbc: {  	[bflag:$0x3] =	sbarrier.arrive $0xFFFF  }
0xbd: {  	_ =	shalt  }

</sc_bundles>
